<compile_context>
chip_gen: v7x
topology: tpu7x:2x2x1
jax: 0.10.2.dev20260603
libtpu: 0.0.44.dev20260713+nightly
codegen_flags: <defaults>
</compile_context>

<pallas_src>
import functools

import jax
import jax.numpy as jnp
from jax import lax
from jax.experimental import pallas as pl
from jax.experimental.pallas import tpu as pltpu
from jax.experimental.pallas import tpu_sc as plsc

B = 16
H_NUM = 3
W_NUM = 9
GRID = 20
DIM = 1024
L = 64
T = H_NUM * W_NUM + 1

NS = 16


def _sc_comb(row_embed, col_embed, type_embed):
    mesh = plsc.VectorSubcoreMesh(core_axis_name="c", subcore_axis_name="s",
                                  num_cores=1)

    @functools.partial(
        pl.kernel,
        mesh=mesh,
        out_type=jax.ShapeDtypeStruct((T, DIM), jnp.float32),
        scratch_types=[
            pltpu.VMEM((2, DIM), jnp.float32),
            pltpu.VMEM((2, DIM), jnp.float32),
            pltpu.VMEM((2, DIM), jnp.float32),
            pltpu.VMEM((DIM,), jnp.float32),
            pltpu.SemaphoreType.DMA,
            pltpu.SemaphoreType.DMA,
            pltpu.SemaphoreType.DMA,
            pltpu.SemaphoreType.DMA,
            pltpu.SemaphoreType.DMA,
            pltpu.SemaphoreType.DMA,
        ],
    )
    def sc_fn(row_hbm, col_hbm, typ_hbm, comb_hbm, ry_v, rx_v, rm_v, acc_v,
              s0a, s1a, s2a, s0b, s1b, s2b):
        wid = lax.axis_index("s")

        def idxs(r):
            is_thumb = r == T - 1
            y = jnp.where(is_thumb, GRID - 1, r // W_NUM)
            x = jnp.where(is_thumb, GRID - 1, r % W_NUM)
            m = jnp.where(is_thumb, 1, 0)
            return y, x, m

        r0 = wid
        r1 = jnp.minimum(wid + NS, T - 1)
        y0, x0, m0 = idxs(r0)
        y1, x1, m1 = idxs(r1)
        ga = (pltpu.async_copy(row_hbm.at[y0], ry_v.at[0], s0a),
              pltpu.async_copy(col_hbm.at[x0], rx_v.at[0], s1a),
              pltpu.async_copy(typ_hbm.at[m0], rm_v.at[0], s2a))
        gb = (pltpu.async_copy(row_hbm.at[y1], ry_v.at[1], s0b),
              pltpu.async_copy(col_hbm.at[x1], rx_v.at[1], s1b),
              pltpu.async_copy(typ_hbm.at[m1], rm_v.at[1], s2b))

        UNROLL = 4

        def reduce_to(k, dst_r):
            def chunk(j, _):
                for u in range(UNROLL):
                    d = pl.ds((j * UNROLL + u) * 16, 16)
                    acc_v[d] = ry_v[k, d] + rx_v[k, d] + rm_v[k, d]
                return 0

            lax.fori_loop(0, DIM // 16 // UNROLL, chunk, 0)
            pltpu.sync_copy(acc_v, comb_hbm.at[dst_r])

        for g in ga:
            g.wait()
        reduce_to(0, r0)
        for g in gb:
            g.wait()

        @pl.when(wid < T - NS)
        def _():
            reduce_to(1, wid + NS)

    return sc_fn(row_embed, col_embed, type_embed)


def _tc_body(it_ref, local_ref, comb_ref, img_ref, out_ref):
    b = pl.program_id(0)
    it = it_ref[b]
    img = jnp.where(it == 0, img_ref[0, :], img_ref[1, :])
    tmp = local_ref[0] + img[None, :]
    for t in range(T):
        out_ref[0, t * L:(t + 1) * L, :] = tmp + comb_ref[t, :][None, :]


def kernel(image_time, local_pos, row_embed, col_embed, image_embed, type_embed):
    it32 = image_time.astype(jnp.int32)
    comb = _sc_comb(row_embed, col_embed, type_embed)

    out = pl.pallas_call(
        _tc_body,
        grid=(B,),
        in_specs=[
            pl.BlockSpec(memory_space=pltpu.SMEM),
            pl.BlockSpec((1, L, DIM), lambda b: (0, 0, 0)),
            pl.BlockSpec((T, DIM), lambda b: (0, 0)),
            pl.BlockSpec((2, DIM), lambda b: (0, 0)),
        ],
        out_specs=pl.BlockSpec((1, T * L, DIM), lambda b: (b, 0, 0)),
        out_shape=jax.ShapeDtypeStruct((B, T * L, DIM), jnp.float32),
    )(it32, local_pos, comb, image_embed)
    return out

# --- scband reference (transcript-rebuilt; emitter-appended) ---
"""Pipeline reference for scband-positional-embedder-15496242004791 (READ-ONLY COPY).

The authoritative reference and input builder live on the scoring server;
editing this copy changes nothing except your own understanding.
"""

import jax, jax.numpy as jnp
import numpy as np

B = 16
H_NUM = 3
W_NUM = 9
GRID = 20
DIM = 1024
PATCH = 224
L = int((PATCH / 14) ** 2 / 4)  # 64 local tokens per tile
T = H_NUM * W_NUM + 1            # 28 tiles (incl. thumbnail)


def setup_inputs(seed: int = 0) -> dict:
    key = jax.random.key(seed)
    k = jax.random.split(key, 6)
    return {
        "image_time": jax.random.randint(k[0], (B,), 0, 2),
        "local_pos": jax.random.normal(k[1], (1, L, DIM), dtype=jnp.float32) * 0.02,
        "row_embed": jax.random.normal(k[2], (GRID, DIM), dtype=jnp.float32),
        "col_embed": jax.random.normal(k[3], (GRID, DIM), dtype=jnp.float32),
        "image_embed": jax.random.normal(k[4], (2, DIM), dtype=jnp.float32),
        "type_embed": jax.random.normal(k[5], (2, DIM), dtype=jnp.float32),
    }


def reference(image_time, local_pos, row_embed, col_embed, image_embed, type_embed):
    # type mask: last tile is the thumbnail (type 1)
    type_mask = jnp.zeros((T,), dtype=jnp.int32).at[-1].set(1)
    type_mask_expanded = jnp.broadcast_to(type_mask[None, :], (B, T))

    # image time embedding (0: Pre, 1: Post)
    it = image_time.astype(jnp.int32).reshape(B, 1)
    it_expanded = jnp.broadcast_to(it, (B, T))
    img_pe = jnp.take(image_embed, it_expanded, axis=0)[:, :, None, :]  # [B, T, 1, DIM]

    # grid row/col indices for the H_NUM x W_NUM tiles, plus thumbnail slot
    y_idxs = jnp.repeat(jnp.arange(H_NUM), W_NUM)
    x_idxs = jnp.tile(jnp.arange(W_NUM), H_NUM)
    thumb = jnp.array([GRID - 1], dtype=y_idxs.dtype)
    y_idxs = jnp.concatenate([y_idxs, thumb])
    x_idxs = jnp.concatenate([x_idxs, thumb])

    global_pe = jnp.take(row_embed, y_idxs, axis=0) + jnp.take(col_embed, x_idxs, axis=0)  # [T, DIM]
    global_pe = jnp.broadcast_to(global_pe[None, :, None, :], (B, T, L, DIM))

    local_pe = jnp.broadcast_to(local_pos[None, :, :, :], (B, T, L, DIM))
    img_pe = jnp.broadcast_to(img_pe, (B, T, L, DIM))
    type_pe = jnp.broadcast_to(jnp.take(type_embed, type_mask_expanded, axis=0)[:, :, None, :], (B, T, L, DIM))

    final_pos = local_pe + global_pe + img_pe + type_pe  # [B, T, L, DIM]
    return final_pos.reshape(B, T * L, DIM)

if __name__ == "__main__":
    import jax
    _d = setup_inputs()
    print(jax.jit(kernel)(*tuple(_d.values())))

</pallas_src>

<mosaic_0001>
#map = affine_map<(d0, d1) -> (0, 0)>
module attributes {stable_mosaic.version = 14 : i64} {
  func.func @sc_fn(%arg0: i32, %arg1: i32, %arg2: memref<20x1024xf32, #tpu.memory_space<hbm>>, %arg3: memref<20x1024xf32, #tpu.memory_space<hbm>>, %arg4: memref<2x1024xf32, #tpu.memory_space<hbm>>, %arg5: memref<28x1024xf32, #tpu.memory_space<hbm>>, %arg6: memref<2x1024xf32, #tpu.memory_space<vmem>>, %arg7: memref<2x1024xf32, #tpu.memory_space<vmem>>, %arg8: memref<2x1024xf32, #tpu.memory_space<vmem>>, %arg9: memref<1024xf32, #tpu.memory_space<vmem>>, %arg10: memref<!tpu.dma_semaphore, #tpu.memory_space<semaphore_mem>>, %arg11: memref<!tpu.dma_semaphore, #tpu.memory_space<semaphore_mem>>, %arg12: memref<!tpu.dma_semaphore, #tpu.memory_space<semaphore_mem>>, %arg13: memref<!tpu.dma_semaphore, #tpu.memory_space<semaphore_mem>>, %arg14: memref<!tpu.dma_semaphore, #tpu.memory_space<semaphore_mem>>, %arg15: memref<!tpu.dma_semaphore, #tpu.memory_space<semaphore_mem>>) attributes {dimension_semantics = [#tpu.dimension_semantics<core_parallel>, #tpu.dimension_semantics<subcore_parallel>], iteration_bounds = array<i64: 1, 16>, scalar_prefetch = 0 : i64, scratch_operands = 10 : i64, tpu.core_type = #tpu.core_type<sc_vector_subcore>, window_params = [{transform_indices = #map}, {transform_indices = #map}, {transform_indices = #map}, {transform_indices = #map}]} {
    %add3A = arith.constant 16 : i32
    %add3A_0 = arith.addi %arg1, %add3A : i32
    %min3A = arith.constant 27 : i32
    %min3A_1 = arith.minsi %add3A_0, %min3A : i32
    %eq3A = arith.constant 27 : i32
    %eq3A_2 = arith.cmpi eq, %arg1, %eq3A : i32
    %jit3A = arith.constant 9 : i32
    %div3A = arith.divsi %arg1, %jit3A : i32
    %sign3A = arith.constant 0 : i32
    %sign3A_3 = arith.cmpi sgt, %arg1, %sign3A : i32
    %sign3A_4 = arith.extui %sign3A_3 : i1 to i32
    %sign3A_5 = arith.constant 0 : i32
    %sign3A_6 = arith.cmpi slt, %arg1, %sign3A_5 : i32
    %sign3A_7 = arith.extui %sign3A_6 : i1 to i32
    %sign3A_8 = arith.subi %sign3A_4, %sign3A_7 : i32
    %sign3A_9 = arith.constant 0 : i32
    %sign3A_10 = arith.cmpi sgt, %jit3A, %sign3A_9 : i32
    %sign3A_11 = arith.extui %sign3A_10 : i1 to i32
    %sign3A_12 = arith.constant 0 : i32
    %sign3A_13 = arith.cmpi slt, %jit3A, %sign3A_12 : i32
    %sign3A_14 = arith.extui %sign3A_13 : i1 to i32
    %sign3A_15 = arith.subi %sign3A_11, %sign3A_14 : i32
    %ne3A = arith.cmpi ne, %sign3A_8, %sign3A_15 : i32
    %rem3A = arith.remsi %arg1, %jit3A : i32
    %ne3A_16 = arith.constant 0 : i32
    %ne3A_17 = arith.cmpi ne, %rem3A, %ne3A_16 : i32
    %and3A = arith.andi %ne3A, %ne3A_17 : i1
    %sub3A = arith.constant 1 : i32
    %sub3A_18 = arith.subi %div3A, %sub3A : i32
    %select_n3A = arith.select %and3A, %sub3A_18, %div3A : i32
    %jit3A_19 = arith.constant 19 : i32
    %select_n3A_20 = arith.select %eq3A_2, %jit3A_19, %select_n3A : i32
    %jit3A_21 = arith.constant 9 : i32
    %eq3A_22 = arith.constant 0 : i32
    %eq3A_23 = arith.cmpi eq, %jit3A_21, %eq3A_22 : i32
    %jit3A_24 = arith.constant 1 : i32
    %select_n3A_25 = arith.select %eq3A_23, %jit3A_24, %jit3A_21 : i32
    %rem3A_26 = arith.remsi %arg1, %select_n3A_25 : i32
    %ne3A_27 = arith.constant 0 : i32
    %ne3A_28 = arith.cmpi ne, %rem3A_26, %ne3A_27 : i32
    %lt3A = arith.constant 0 : i32
    %lt3A_29 = arith.cmpi slt, %rem3A_26, %lt3A : i32
    %lt3A_30 = arith.constant 0 : i32
    %lt3A_31 = arith.cmpi slt, %select_n3A_25, %lt3A_30 : i32
    %ne3A_32 = arith.xori %lt3A_29, %lt3A_31 : i1
    %and3A_33 = arith.andi %ne3A_32, %ne3A_28 : i1
    %add3A_34 = arith.addi %rem3A_26, %select_n3A_25 : i32
    %select_n3A_35 = arith.select %and3A_33, %add3A_34, %rem3A_26 : i32
    %jit3A_36 = arith.constant 19 : i32
    %select_n3A_37 = arith.select %eq3A_2, %jit3A_36, %select_n3A_35 : i32
    %jit3A_38 = arith.constant 1 : i32
    %jit3A_39 = arith.constant 0 : i32
    %select_n3A_40 = arith.select %eq3A_2, %jit3A_38, %jit3A_39 : i32
    %eq3A_41 = arith.constant 27 : i32
    %eq3A_42 = arith.cmpi eq, %min3A_1, %eq3A_41 : i32
    %jit3A_43 = arith.constant 9 : i32
    %div3A_44 = arith.divsi %min3A_1, %jit3A_43 : i32
    %sign3A_45 = arith.constant 0 : i32
    %sign3A_46 = arith.cmpi sgt, %min3A_1, %sign3A_45 : i32
    %sign3A_47 = arith.extui %sign3A_46 : i1 to i32
    %sign3A_48 = arith.constant 0 : i32
    %sign3A_49 = arith.cmpi slt, %min3A_1, %sign3A_48 : i32
    %sign3A_50 = arith.extui %sign3A_49 : i1 to i32
    %sign3A_51 = arith.subi %sign3A_47, %sign3A_50 : i32
    %sign3A_52 = arith.constant 0 : i32
    %sign3A_53 = arith.cmpi sgt, %jit3A_43, %sign3A_52 : i32
    %sign3A_54 = arith.extui %sign3A_53 : i1 to i32
    %sign3A_55 = arith.constant 0 : i32
    %sign3A_56 = arith.cmpi slt, %jit3A_43, %sign3A_55 : i32
    %sign3A_57 = arith.extui %sign3A_56 : i1 to i32
    %sign3A_58 = arith.subi %sign3A_54, %sign3A_57 : i32
    %ne3A_59 = arith.cmpi ne, %sign3A_51, %sign3A_58 : i32
    %rem3A_60 = arith.remsi %min3A_1, %jit3A_43 : i32
    %ne3A_61 = arith.constant 0 : i32
    %ne3A_62 = arith.cmpi ne, %rem3A_60, %ne3A_61 : i32
    %and3A_63 = arith.andi %ne3A_59, %ne3A_62 : i1
    %sub3A_64 = arith.constant 1 : i32
    %sub3A_65 = arith.subi %div3A_44, %sub3A_64 : i32
    %select_n3A_66 = arith.select %and3A_63, %sub3A_65, %div3A_44 : i32
    %jit3A_67 = arith.constant 19 : i32
    %select_n3A_68 = arith.select %eq3A_42, %jit3A_67, %select_n3A_66 : i32
    %jit3A_69 = arith.constant 9 : i32
    %eq3A_70 = arith.constant 0 : i32
    %eq3A_71 = arith.cmpi eq, %jit3A_69, %eq3A_70 : i32
    %jit3A_72 = arith.constant 1 : i32
    %select_n3A_73 = arith.select %eq3A_71, %jit3A_72, %jit3A_69 : i32
    %rem3A_74 = arith.remsi %min3A_1, %select_n3A_73 : i32
    %ne3A_75 = arith.constant 0 : i32
    %ne3A_76 = arith.cmpi ne, %rem3A_74, %ne3A_75 : i32
    %lt3A_77 = arith.constant 0 : i32
    %lt3A_78 = arith.cmpi slt, %rem3A_74, %lt3A_77 : i32
    %lt3A_79 = arith.constant 0 : i32
    %lt3A_80 = arith.cmpi slt, %select_n3A_73, %lt3A_79 : i32
    %ne3A_81 = arith.xori %lt3A_78, %lt3A_80 : i1
    %and3A_82 = arith.andi %ne3A_81, %ne3A_76 : i1
    %add3A_83 = arith.addi %rem3A_74, %select_n3A_73 : i32
    %select_n3A_84 = arith.select %and3A_82, %add3A_83, %rem3A_74 : i32
    %jit3A_85 = arith.constant 19 : i32
    %select_n3A_86 = arith.select %eq3A_42, %jit3A_85, %select_n3A_84 : i32
    %jit3A_87 = arith.constant 1 : i32
    %jit3A_88 = arith.constant 0 : i32
    %select_n3A_89 = arith.select %eq3A_42, %jit3A_87, %jit3A_88 : i32
    %dma_start3A = arith.constant 0 : i32
    %dma_start3A_90 = arith.constant 0 : i32
    %dma_start3A_91 = tpu.memref_slice %arg6[%dma_start3A, %dma_start3A_90] : memref<2x1024xf32, #tpu.memory_space<vmem>> -> memref<1x1024xf32, #tpu.memory_space<vmem>>
    %dma_start3A_92 = tpu.memref_squeeze %dma_start3A_91 : memref<1x1024xf32, #tpu.memory_space<vmem>> -> memref<1024xf32, #tpu.memory_space<vmem>>
    %dma_start3A_93 = arith.constant 0 : i32
    %dma_start3A_94 = tpu.memref_slice %arg2[%select_n3A_20, %dma_start3A_93] : memref<20x1024xf32, #tpu.memory_space<hbm>> -> memref<1x1024xf32, #tpu.memory_space<hbm>>
    %dma_start3A_95 = tpu.memref_squeeze %dma_start3A_94 : memref<1x1024xf32, #tpu.memory_space<hbm>> -> memref<1024xf32, #tpu.memory_space<hbm>>
    %dma_start3A_96 = arith.constant 0 : i32
    %dma_start3A_97 = tpu.memref_slice %arg6[%dma_start3A, %dma_start3A_96] : memref<2x1024xf32, #tpu.memory_space<vmem>> -> memref<1x1024xf32, #tpu.memory_space<vmem>>
    %dma_start3A_98 = tpu.memref_squeeze %dma_start3A_97 : memref<1x1024xf32, #tpu.memory_space<vmem>> -> memref<1024xf32, #tpu.memory_space<vmem>>
    %dma_start3A_99 = arith.constant 0 : i32
    %dma_start3A_100 = tpu.memref_slice %arg2[%select_n3A_20, %dma_start3A_99] : memref<20x1024xf32, #tpu.memory_space<hbm>> -> memref<1x1024xf32, #tpu.memory_space<hbm>>
    %dma_start3A_101 = tpu.memref_squeeze %dma_start3A_100 : memref<1x1024xf32, #tpu.memory_space<hbm>> -> memref<1024xf32, #tpu.memory_space<hbm>>
    tpu.enqueue_dma source(%dma_start3A_101 : memref<1024xf32, #tpu.memory_space<hbm>>) target(%dma_start3A_98 : memref<1024xf32, #tpu.memory_space<vmem>>) target_semaphore(%arg10 : memref<!tpu.dma_semaphore, #tpu.memory_space<semaphore_mem>>)
    %dma_start3A_102 = arith.constant 0 : i32
    %dma_start3A_103 = arith.constant 0 : i32
    %dma_start3A_104 = tpu.memref_slice %arg7[%dma_start3A_102, %dma_start3A_103] : memref<2x1024xf32, #tpu.memory_space<vmem>> -> memref<1x1024xf32, #tpu.memory_space<vmem>>
    %dma_start3A_105 = tpu.memref_squeeze %dma_start3A_104 : memref<1x1024xf32, #tpu.memory_space<vmem>> -> memref<1024xf32, #tpu.memory_space<vmem>>
    %dma_start3A_106 = arith.constant 0 : i32
    %dma_start3A_107 = tpu.memref_slice %arg3[%select_n3A_37, %dma_start3A_106] : memref<20x1024xf32, #tpu.memory_space<hbm>> -> memref<1x1024xf32, #tpu.memory_space<hbm>>
    %dma_start3A_108 = tpu.memref_squeeze %dma_start3A_107 : memref<1x1024xf32, #tpu.memory_space<hbm>> -> memref<1024xf32, #tpu.memory_space<hbm>>
    %dma_start3A_109 = arith.constant 0 : i32
    %dma_start3A_110 = tpu.memref_slice %arg7[%dma_start3A_102, %dma_start3A_109] : memref<2x1024xf32, #tpu.memory_space<vmem>> -> memref<1x1024xf32, #tpu.memory_space<vmem>>
    %dma_start3A_111 = tpu.memref_squeeze %dma_start3A_110 : memref<1x1024xf32, #tpu.memory_space<vmem>> -> memref<1024xf32, #tpu.memory_space<vmem>>
    %dma_start3A_112 = arith.constant 0 : i32
    %dma_start3A_113 = tpu.memref_slice %arg3[%select_n3A_37, %dma_start3A_112] : memref<20x1024xf32, #tpu.memory_space<hbm>> -> memref<1x1024xf32, #tpu.memory_space<hbm>>
    %dma_start3A_114 = tpu.memref_squeeze %dma_start3A_113 : memref<1x1024xf32, #tpu.memory_space<hbm>> -> memref<1024xf32, #tpu.memory_space<hbm>>
    tpu.enqueue_dma source(%dma_start3A_114 : memref<1024xf32, #tpu.memory_space<hbm>>) target(%dma_start3A_111 : memref<1024xf32, #tpu.memory_space<vmem>>) target_semaphore(%arg11 : memref<!tpu.dma_semaphore, #tpu.memory_space<semaphore_mem>>)
    %dma_start3A_115 = arith.constant 0 : i32
    %dma_start3A_116 = arith.constant 0 : i32
    %dma_start3A_117 = tpu.memref_slice %arg8[%dma_start3A_115, %dma_start3A_116] : memref<2x1024xf32, #tpu.memory_space<vmem>> -> memref<1x1024xf32, #tpu.memory_space<vmem>>
    %dma_start3A_118 = tpu.memref_squeeze %dma_start3A_117 : memref<1x1024xf32, #tpu.memory_space<vmem>> -> memref<1024xf32, #tpu.memory_space<vmem>>
    %dma_start3A_119 = arith.constant 0 : i32
    %dma_start3A_120 = tpu.memref_slice %arg4[%select_n3A_40, %dma_start3A_119] : memref<2x1024xf32, #tpu.memory_space<hbm>> -> memref<1x1024xf32, #tpu.memory_space<hbm>>
    %dma_start3A_121 = tpu.memref_squeeze %dma_start3A_120 : memref<1x1024xf32, #tpu.memory_space<hbm>> -> memref<1024xf32, #tpu.memory_space<hbm>>
    %dma_start3A_122 = arith.constant 0 : i32
    %dma_start3A_123 = tpu.memref_slice %arg8[%dma_start3A_115, %dma_start3A_122] : memref<2x1024xf32, #tpu.memory_space<vmem>> -> memref<1x1024xf32, #tpu.memory_space<vmem>>
    %dma_start3A_124 = tpu.memref_squeeze %dma_start3A_123 : memref<1x1024xf32, #tpu.memory_space<vmem>> -> memref<1024xf32, #tpu.memory_space<vmem>>
    %dma_start3A_125 = arith.constant 0 : i32
    %dma_start3A_126 = tpu.memref_slice %arg4[%select_n3A_40, %dma_start3A_125] : memref<2x1024xf32, #tpu.memory_space<hbm>> -> memref<1x1024xf32, #tpu.memory_space<hbm>>
    %dma_start3A_127 = tpu.memref_squeeze %dma_start3A_126 : memref<1x1024xf32, #tpu.memory_space<hbm>> -> memref<1024xf32, #tpu.memory_space<hbm>>
    tpu.enqueue_dma source(%dma_start3A_127 : memref<1024xf32, #tpu.memory_space<hbm>>) target(%dma_start3A_124 : memref<1024xf32, #tpu.memory_space<vmem>>) target_semaphore(%arg12 : memref<!tpu.dma_semaphore, #tpu.memory_space<semaphore_mem>>)
    %dma_start3A_128 = arith.constant 1 : i32
    %dma_start3A_129 = arith.constant 0 : i32
    %dma_start3A_130 = tpu.memref_slice %arg6[%dma_start3A_128, %dma_start3A_129] : memref<2x1024xf32, #tpu.memory_space<vmem>> -> memref<1x1024xf32, #tpu.memory_space<vmem>>
    %dma_start3A_131 = tpu.memref_squeeze %dma_start3A_130 : memref<1x1024xf32, #tpu.memory_space<vmem>> -> memref<1024xf32, #tpu.memory_space<vmem>>
    %dma_start3A_132 = arith.constant 0 : i32
    %dma_start3A_133 = tpu.memref_slice %arg2[%select_n3A_68, %dma_start3A_132] : memref<20x1024xf32, #tpu.memory_space<hbm>> -> memref<1x1024xf32, #tpu.memory_space<hbm>>
    %dma_start3A_134 = tpu.memref_squeeze %dma_start3A_133 : memref<1x1024xf32, #tpu.memory_space<hbm>> -> memref<1024xf32, #tpu.memory_space<hbm>>
    %dma_start3A_135 = arith.constant 0 : i32
    %dma_start3A_136 = tpu.memref_slice %arg6[%dma_start3A_128, %dma_start3A_135] : memref<2x1024xf32, #tpu.memory_space<vmem>> -> memref<1x1024xf32, #tpu.memory_space<vmem>>
    %dma_start3A_137 = tpu.memref_squeeze %dma_start3A_136 : memref<1x1024xf32, #tpu.memory_space<vmem>> -> memref<1024xf32, #tpu.memory_space<vmem>>
    %dma_start3A_138 = arith.constant 0 : i32
    %dma_start3A_139 = tpu.memref_slice %arg2[%select_n3A_68, %dma_start3A_138] : memref<20x1024xf32, #tpu.memory_space<hbm>> -> memref<1x1024xf32, #tpu.memory_space<hbm>>
    %dma_start3A_140 = tpu.memref_squeeze %dma_start3A_139 : memref<1x1024xf32, #tpu.memory_space<hbm>> -> memref<1024xf32, #tpu.memory_space<hbm>>
    tpu.enqueue_dma source(%dma_start3A_140 : memref<1024xf32, #tpu.memory_space<hbm>>) target(%dma_start3A_137 : memref<1024xf32, #tpu.memory_space<vmem>>) target_semaphore(%arg13 : memref<!tpu.dma_semaphore, #tpu.memory_space<semaphore_mem>>)
    %dma_start3A_141 = arith.constant 1 : i32
    %dma_start3A_142 = arith.constant 0 : i32
    %dma_start3A_143 = tpu.memref_slice %arg7[%dma_start3A_141, %dma_start3A_142] : memref<2x1024xf32, #tpu.memory_space<vmem>> -> memref<1x1024xf32, #tpu.memory_space<vmem>>
    %dma_start3A_144 = tpu.memref_squeeze %dma_start3A_143 : memref<1x1024xf32, #tpu.memory_space<vmem>> -> memref<1024xf32, #tpu.memory_space<vmem>>
    %dma_start3A_145 = arith.constant 0 : i32
    %dma_start3A_146 = tpu.memref_slice %arg3[%select_n3A_86, %dma_start3A_145] : memref<20x1024xf32, #tpu.memory_space<hbm>> -> memref<1x1024xf32, #tpu.memory_space<hbm>>
    %dma_start3A_147 = tpu.memref_squeeze %dma_start3A_146 : memref<1x1024xf32, #tpu.memory_space<hbm>> -> memref<1024xf32, #tpu.memory_space<hbm>>
    %dma_start3A_148 = arith.constant 0 : i32
    %dma_start3A_149 = tpu.memref_slice %arg7[%dma_start3A_141, %dma_start3A_148] : memref<2x1024xf32, #tpu.memory_space<vmem>> -> memref<1x1024xf32, #tpu.memory_space<vmem>>
    %dma_start3A_150 = tpu.memref_squeeze %dma_start3A_149 : memref<1x1024xf32, #tpu.memory_space<vmem>> -> memref<1024xf32, #tpu.memory_space<vmem>>
    %dma_start3A_151 = arith.constant 0 : i32
    %dma_start3A_152 = tpu.memref_slice %arg3[%select_n3A_86, %dma_start3A_151] : memref<20x1024xf32, #tpu.memory_space<hbm>> -> memref<1x1024xf32, #tpu.memory_space<hbm>>
    %dma_start3A_153 = tpu.memref_squeeze %dma_start3A_152 : memref<1x1024xf32, #tpu.memory_space<hbm>> -> memref<1024xf32, #tpu.memory_space<hbm>>
    tpu.enqueue_dma source(%dma_start3A_153 : memref<1024xf32, #tpu.memory_space<hbm>>) target(%dma_start3A_150 : memref<1024xf32, #tpu.memory_space<vmem>>) target_semaphore(%arg14 : memref<!tpu.dma_semaphore, #tpu.memory_space<semaphore_mem>>)
    %dma_start3A_154 = arith.constant 1 : i32
    %dma_start3A_155 = arith.constant 0 : i32
    %dma_start3A_156 = tpu.memref_slice %arg8[%dma_start3A_154, %dma_start3A_155] : memref<2x1024xf32, #tpu.memory_space<vmem>> -> memref<1x1024xf32, #tpu.memory_space<vmem>>
    %dma_start3A_157 = tpu.memref_squeeze %dma_start3A_156 : memref<1x1024xf32, #tpu.memory_space<vmem>> -> memref<1024xf32, #tpu.memory_space<vmem>>
    %dma_start3A_158 = arith.constant 0 : i32
    %dma_start3A_159 = tpu.memref_slice %arg4[%select_n3A_89, %dma_start3A_158] : memref<2x1024xf32, #tpu.memory_space<hbm>> -> memref<1x1024xf32, #tpu.memory_space<hbm>>
    %dma_start3A_160 = tpu.memref_squeeze %dma_start3A_159 : memref<1x1024xf32, #tpu.memory_space<hbm>> -> memref<1024xf32, #tpu.memory_space<hbm>>
    %dma_start3A_161 = arith.constant 0 : i32
    %dma_start3A_162 = tpu.memref_slice %arg8[%dma_start3A_154, %dma_start3A_161] : memref<2x1024xf32, #tpu.memory_space<vmem>> -> memref<1x1024xf32, #tpu.memory_space<vmem>>
    %dma_start3A_163 = tpu.memref_squeeze %dma_start3A_162 : memref<1x1024xf32, #tpu.memory_space<vmem>> -> memref<1024xf32, #tpu.memory_space<vmem>>
    %dma_start3A_164 = arith.constant 0 : i32
    %dma_start3A_165 = tpu.memref_slice %arg4[%select_n3A_89, %dma_start3A_164] : memref<2x1024xf32, #tpu.memory_space<hbm>> -> memref<1x1024xf32, #tpu.memory_space<hbm>>
    %dma_start3A_166 = tpu.memref_squeeze %dma_start3A_165 : memref<1x1024xf32, #tpu.memory_space<hbm>> -> memref<1024xf32, #tpu.memory_space<hbm>>
    tpu.enqueue_dma source(%dma_start3A_166 : memref<1024xf32, #tpu.memory_space<hbm>>) target(%dma_start3A_163 : memref<1024xf32, #tpu.memory_space<vmem>>) target_semaphore(%arg15 : memref<!tpu.dma_semaphore, #tpu.memory_space<semaphore_mem>>)
    %dma_wait3A = arith.constant 0 : i32
    %dma_wait3A_167 = arith.constant 0 : i32
    %dma_wait3A_168 = tpu.memref_slice %arg6[%dma_wait3A, %dma_wait3A_167] : memref<2x1024xf32, #tpu.memory_space<vmem>> -> memref<1x1024xf32, #tpu.memory_space<vmem>>
    %dma_wait3A_169 = tpu.memref_squeeze %dma_wait3A_168 : memref<1x1024xf32, #tpu.memory_space<vmem>> -> memref<1024xf32, #tpu.memory_space<vmem>>
    %dma_wait3A_170 = arith.constant 0 : i32
    %dma_wait3A_171 = tpu.memref_slice %arg2[%select_n3A_20, %dma_wait3A_170] : memref<20x1024xf32, #tpu.memory_space<hbm>> -> memref<1x1024xf32, #tpu.memory_space<hbm>>
    %dma_wait3A_172 = tpu.memref_squeeze %dma_wait3A_171 : memref<1x1024xf32, #tpu.memory_space<hbm>> -> memref<1024xf32, #tpu.memory_space<hbm>>
    %dma_wait3A_173 = arith.constant 0 : i32
    %dma_wait3A_174 = tpu.memref_slice %arg6[%dma_wait3A, %dma_wait3A_173] : memref<2x1024xf32, #tpu.memory_space<vmem>> -> memref<1x1024xf32, #tpu.memory_space<vmem>>
    %dma_wait3A_175 = tpu.memref_squeeze %dma_wait3A_174 : memref<1x1024xf32, #tpu.memory_space<vmem>> -> memref<1024xf32, #tpu.memory_space<vmem>>
    %dma_wait3A_176 = arith.constant 0 : i32
    %dma_wait3A_177 = tpu.memref_slice %arg2[%select_n3A_20, %dma_wait3A_176] : memref<20x1024xf32, #tpu.memory_space<hbm>> -> memref<1x1024xf32, #tpu.memory_space<hbm>>
    %dma_wait3A_178 = tpu.memref_squeeze %dma_wait3A_177 : memref<1x1024xf32, #tpu.memory_space<hbm>> -> memref<1024xf32, #tpu.memory_space<hbm>>
    tpu.wait_dma2 semaphore(%arg10 : memref<!tpu.dma_semaphore, #tpu.memory_space<semaphore_mem>>) src(%dma_wait3A_178 : memref<1024xf32, #tpu.memory_space<hbm>>) dst(%dma_wait3A_175 : memref<1024xf32, #tpu.memory_space<vmem>>)
    %dma_wait3A_179 = arith.constant 0 : i32
    %dma_wait3A_180 = arith.constant 0 : i32
    %dma_wait3A_181 = tpu.memref_slice %arg7[%dma_wait3A_179, %dma_wait3A_180] : memref<2x1024xf32, #tpu.memory_space<vmem>> -> memref<1x1024xf32, #tpu.memory_space<vmem>>
    %dma_wait3A_182 = tpu.memref_squeeze %dma_wait3A_181 : memref<1x1024xf32, #tpu.memory_space<vmem>> -> memref<1024xf32, #tpu.memory_space<vmem>>
    %dma_wait3A_183 = arith.constant 0 : i32
    %dma_wait3A_184 = tpu.memref_slice %arg3[%select_n3A_37, %dma_wait3A_183] : memref<20x1024xf32, #tpu.memory_space<hbm>> -> memref<1x1024xf32, #tpu.memory_space<hbm>>
    %dma_wait3A_185 = tpu.memref_squeeze %dma_wait3A_184 : memref<1x1024xf32, #tpu.memory_space<hbm>> -> memref<1024xf32, #tpu.memory_space<hbm>>
    %dma_wait3A_186 = arith.constant 0 : i32
    %dma_wait3A_187 = tpu.memref_slice %arg7[%dma_wait3A_179, %dma_wait3A_186] : memref<2x1024xf32, #tpu.memory_space<vmem>> -> memref<1x1024xf32, #tpu.memory_space<vmem>>
    %dma_wait3A_188 = tpu.memref_squeeze %dma_wait3A_187 : memref<1x1024xf32, #tpu.memory_space<vmem>> -> memref<1024xf32, #tpu.memory_space<vmem>>
    %dma_wait3A_189 = arith.constant 0 : i32
    %dma_wait3A_190 = tpu.memref_slice %arg3[%select_n3A_37, %dma_wait3A_189] : memref<20x1024xf32, #tpu.memory_space<hbm>> -> memref<1x1024xf32, #tpu.memory_space<hbm>>
    %dma_wait3A_191 = tpu.memref_squeeze %dma_wait3A_190 : memref<1x1024xf32, #tpu.memory_space<hbm>> -> memref<1024xf32, #tpu.memory_space<hbm>>
    tpu.wait_dma2 semaphore(%arg11 : memref<!tpu.dma_semaphore, #tpu.memory_space<semaphore_mem>>) src(%dma_wait3A_191 : memref<1024xf32, #tpu.memory_space<hbm>>) dst(%dma_wait3A_188 : memref<1024xf32, #tpu.memory_space<vmem>>)
    %dma_wait3A_192 = arith.constant 0 : i32
    %dma_wait3A_193 = arith.constant 0 : i32
    %dma_wait3A_194 = tpu.memref_slice %arg8[%dma_wait3A_192, %dma_wait3A_193] : memref<2x1024xf32, #tpu.memory_space<vmem>> -> memref<1x1024xf32, #tpu.memory_space<vmem>>
    %dma_wait3A_195 = tpu.memref_squeeze %dma_wait3A_194 : memref<1x1024xf32, #tpu.memory_space<vmem>> -> memref<1024xf32, #tpu.memory_space<vmem>>
    %dma_wait3A_196 = arith.constant 0 : i32
    %dma_wait3A_197 = tpu.memref_slice %arg4[%select_n3A_40, %dma_wait3A_196] : memref<2x1024xf32, #tpu.memory_space<hbm>> -> memref<1x1024xf32, #tpu.memory_space<hbm>>
    %dma_wait3A_198 = tpu.memref_squeeze %dma_wait3A_197 : memref<1x1024xf32, #tpu.memory_space<hbm>> -> memref<1024xf32, #tpu.memory_space<hbm>>
    %dma_wait3A_199 = arith.constant 0 : i32
    %dma_wait3A_200 = tpu.memref_slice %arg8[%dma_wait3A_192, %dma_wait3A_199] : memref<2x1024xf32, #tpu.memory_space<vmem>> -> memref<1x1024xf32, #tpu.memory_space<vmem>>
    %dma_wait3A_201 = tpu.memref_squeeze %dma_wait3A_200 : memref<1x1024xf32, #tpu.memory_space<vmem>> -> memref<1024xf32, #tpu.memory_space<vmem>>
    %dma_wait3A_202 = arith.constant 0 : i32
    %dma_wait3A_203 = tpu.memref_slice %arg4[%select_n3A_40, %dma_wait3A_202] : memref<2x1024xf32, #tpu.memory_space<hbm>> -> memref<1x1024xf32, #tpu.memory_space<hbm>>
    %dma_wait3A_204 = tpu.memref_squeeze %dma_wait3A_203 : memref<1x1024xf32, #tpu.memory_space<hbm>> -> memref<1024xf32, #tpu.memory_space<hbm>>
    tpu.wait_dma2 semaphore(%arg12 : memref<!tpu.dma_semaphore, #tpu.memory_space<semaphore_mem>>) src(%dma_wait3A_204 : memref<1024xf32, #tpu.memory_space<hbm>>) dst(%dma_wait3A_201 : memref<1024xf32, #tpu.memory_space<vmem>>)
    %scan3A = arith.constant 0 : i32
    %scan3A_205 = arith.constant 0 : i32
    %scan3A_206 = arith.constant 16 : i32
    %scan3A_207 = arith.addi %scan3A_205, %scan3A_206 : i32
    %scan3A_208 = arith.constant 1 : i32
    %scan3A_209 = scf.for %scan3A_253 = %scan3A_205 to %scan3A_207 step %scan3A_208 iter_args(%scan3A_254 = %scan3A) -> (i32)  : i32 {
      %mul3A = arith.constant 4 : i32
      %mul3A_255 = arith.muli %scan3A_253, %mul3A : i32
      %add3A_256 = arith.constant 0 : i32
      %add3A_257 = arith.addi %mul3A_255, %add3A_256 : i32
      %mul3A_258 = arith.constant 16 : i32
      %mul3A_259 = arith.muli %add3A_257, %mul3A_258 : i32
      %get3A = arith.constant 0 : i32
      %get3A_260 = arith.index_cast %get3A : i32 to index
      %get3A_261 = arith.index_cast %mul3A_259 : i32 to index
      %get3A_262 = tpu.vector_load %arg6[%get3A_260, %get3A_261] {strides = array<i32>} : memref<2x1024xf32, #tpu.memory_space<vmem>>, vector<1x16xf32>,
      %get3A_263 = vector.shape_cast %get3A_262 : vector<1x16xf32> to vector<16xf32>
      %get3A_264 = arith.constant 0 : i32
      %get3A_265 = arith.index_cast %get3A_264 : i32 to index
      %get3A_266 = arith.index_cast %mul3A_259 : i32 to index
      %get3A_267 = tpu.vector_load %arg7[%get3A_265, %get3A_266] {strides = array<i32>} : memref<2x1024xf32, #tpu.memory_space<vmem>>, vector<1x16xf32>,
      %get3A_268 = vector.shape_cast %get3A_267 : vector<1x16xf32> to vector<16xf32>
      %add3A_269 = arith.addf %get3A_263, %get3A_268 : vector<16xf32>
      %get3A_270 = arith.constant 0 : i32
      %get3A_271 = arith.index_cast %get3A_270 : i32 to index
      %get3A_272 = arith.index_cast %mul3A_259 : i32 to index
      %get3A_273 = tpu.vector_load %arg8[%get3A_271, %get3A_272] {strides = array<i32>} : memref<2x1024xf32, #tpu.memory_space<vmem>>, vector<1x16xf32>,
      %get3A_274 = vector.shape_cast %get3A_273 : vector<1x16xf32> to vector<16xf32>
      %add3A_275 = arith.addf %add3A_269, %get3A_274 : vector<16xf32>
      %swap3A = arith.index_cast %mul3A_259 : i32 to index
      %swap3A_276 = tpu.vector_load %arg9[%swap3A] {strides = array<i32>} : memref<1024xf32, #tpu.memory_space<vmem>>, vector<16xf32>,
      %swap3A_277 = vector.shape_cast %swap3A_276 : vector<16xf32> to vector<16xf32>
      %swap3A_278 = vector.shape_cast %add3A_275 : vector<16xf32> to vector<16xf32>
      tpu.vector_store %arg9[%swap3A], %swap3A_278 {strides = array<i32>} : memref<1024xf32, #tpu.memory_space<vmem>>, vector<16xf32>,
      %mul3A_279 = arith.constant 4 : i32
      %mul3A_280 = arith.muli %scan3A_253, %mul3A_279 : i32
      %add3A_281 = arith.constant 1 : i32
      %add3A_282 = arith.addi %mul3A_280, %add3A_281 : i32
      %mul3A_283 = arith.constant 16 : i32
      %mul3A_284 = arith.muli %add3A_282, %mul3A_283 : i32
      %get3A_285 = arith.constant 0 : i32
      %get3A_286 = arith.index_cast %get3A_285 : i32 to index
      %get3A_287 = arith.index_cast %mul3A_284 : i32 to index
      %get3A_288 = tpu.vector_load %arg6[%get3A_286, %get3A_287] {strides = array<i32>} : memref<2x1024xf32, #tpu.memory_space<vmem>>, vector<1x16xf32>,
      %get3A_289 = vector.shape_cast %get3A_288 : vector<1x16xf32> to vector<16xf32>
      %get3A_290 = arith.constant 0 : i32
      %get3A_291 = arith.index_cast %get3A_290 : i32 to index
      %get3A_292 = arith.index_cast %mul3A_284 : i32 to index
      %get3A_293 = tpu.vector_load %arg7[%get3A_291, %get3A_292] {strides = array<i32>} : memref<2x1024xf32, #tpu.memory_space<vmem>>, vector<1x16xf32>,
      %get3A_294 = vector.shape_cast %get3A_293 : vector<1x16xf32> to vector<16xf32>
      %add3A_295 = arith.addf %get3A_289, %get3A_294 : vector<16xf32>
      %get3A_296 = arith.constant 0 : i32
      %get3A_297 = arith.index_cast %get3A_296 : i32 to index
      %get3A_298 = arith.index_cast %mul3A_284 : i32 to index
      %get3A_299 = tpu.vector_load %arg8[%get3A_297, %get3A_298] {strides = array<i32>} : memref<2x1024xf32, #tpu.memory_space<vmem>>, vector<1x16xf32>,
      %get3A_300 = vector.shape_cast %get3A_299 : vector<1x16xf32> to vector<16xf32>
      %add3A_301 = arith.addf %add3A_295, %get3A_300 : vector<16xf32>
      %swap3A_302 = arith.index_cast %mul3A_284 : i32 to index
      %swap3A_303 = tpu.vector_load %arg9[%swap3A_302] {strides = array<i32>} : memref<1024xf32, #tpu.memory_space<vmem>>, vector<16xf32>,
      %swap3A_304 = vector.shape_cast %swap3A_303 : vector<16xf32> to vector<16xf32>
      %swap3A_305 = vector.shape_cast %add3A_301 : vector<16xf32> to vector<16xf32>
      tpu.vector_store %arg9[%swap3A_302], %swap3A_305 {strides = array<i32>} : memref<1024xf32, #tpu.memory_space<vmem>>, vector<16xf32>,
      %mul3A_306 = arith.constant 4 : i32
      %mul3A_307 = arith.muli %scan3A_253, %mul3A_306 : i32
      %add3A_308 = arith.constant 2 : i32
      %add3A_309 = arith.addi %mul3A_307, %add3A_308 : i32
      %mul3A_310 = arith.constant 16 : i32
      %mul3A_311 = arith.muli %add3A_309, %mul3A_310 : i32
      %get3A_312 = arith.constant 0 : i32
      %get3A_313 = arith.index_cast %get3A_312 : i32 to index
      %get3A_314 = arith.index_cast %mul3A_311 : i32 to index
      %get3A_315 = tpu.vector_load %arg6[%get3A_313, %get3A_314] {strides = array<i32>} : memref<2x1024xf32, #tpu.memory_space<vmem>>, vector<1x16xf32>,
      %get3A_316 = vector.shape_cast %get3A_315 : vector<1x16xf32> to vector<16xf32>
      %get3A_317 = arith.constant 0 : i32
      %get3A_318 = arith.index_cast %get3A_317 : i32 to index
      %get3A_319 = arith.index_cast %mul3A_311 : i32 to index
      %get3A_320 = tpu.vector_load %arg7[%get3A_318, %get3A_319] {strides = array<i32>} : memref<2x1024xf32, #tpu.memory_space<vmem>>, vector<1x16xf32>,
      %get3A_321 = vector.shape_cast %get3A_320 : vector<1x16xf32> to vector<16xf32>
      %add3A_322 = arith.addf %get3A_316, %get3A_321 : vector<16xf32>
      %get3A_323 = arith.constant 0 : i32
      %get3A_324 = arith.index_cast %get3A_323 : i32 to index
      %get3A_325 = arith.index_cast %mul3A_311 : i32 to index
      %get3A_326 = tpu.vector_load %arg8[%get3A_324, %get3A_325] {strides = array<i32>} : memref<2x1024xf32, #tpu.memory_space<vmem>>, vector<1x16xf32>,
      %get3A_327 = vector.shape_cast %get3A_326 : vector<1x16xf32> to vector<16xf32>
      %add3A_328 = arith.addf %add3A_322, %get3A_327 : vector<16xf32>
      %swap3A_329 = arith.index_cast %mul3A_311 : i32 to index
      %swap3A_330 = tpu.vector_load %arg9[%swap3A_329] {strides = array<i32>} : memref<1024xf32, #tpu.memory_space<vmem>>, vector<16xf32>,
      %swap3A_331 = vector.shape_cast %swap3A_330 : vector<16xf32> to vector<16xf32>
      %swap3A_332 = vector.shape_cast %add3A_328 : vector<16xf32> to vector<16xf32>
      tpu.vector_store %arg9[%swap3A_329], %swap3A_332 {strides = array<i32>} : memref<1024xf32, #tpu.memory_space<vmem>>, vector<16xf32>,
      %mul3A_333 = arith.constant 4 : i32
      %mul3A_334 = arith.muli %scan3A_253, %mul3A_333 : i32
      %add3A_335 = arith.constant 3 : i32
      %add3A_336 = arith.addi %mul3A_334, %add3A_335 : i32
      %mul3A_337 = arith.constant 16 : i32
      %mul3A_338 = arith.muli %add3A_336, %mul3A_337 : i32
      %get3A_339 = arith.constant 0 : i32
      %get3A_340 = arith.index_cast %get3A_339 : i32 to index
      %get3A_341 = arith.index_cast %mul3A_338 : i32 to index
      %get3A_342 = tpu.vector_load %arg6[%get3A_340, %get3A_341] {strides = array<i32>} : memref<2x1024xf32, #tpu.memory_space<vmem>>, vector<1x16xf32>,
      %get3A_343 = vector.shape_cast %get3A_342 : vector<1x16xf32> to vector<16xf32>
      %get3A_344 = arith.constant 0 : i32
      %get3A_345 = arith.index_cast %get3A_344 : i32 to index
      %get3A_346 = arith.index_cast %mul3A_338 : i32 to index
      %get3A_347 = tpu.vector_load %arg7[%get3A_345, %get3A_346] {strides = array<i32>} : memref<2x1024xf32, #tpu.memory_space<vmem>>, vector<1x16xf32>,
      %get3A_348 = vector.shape_cast %get3A_347 : vector<1x16xf32> to vector<16xf32>
      %add3A_349 = arith.addf %get3A_343, %get3A_348 : vector<16xf32>
      %get3A_350 = arith.constant 0 : i32
      %get3A_351 = arith.index_cast %get3A_350 : i32 to index
      %get3A_352 = arith.index_cast %mul3A_338 : i32 to index
      %get3A_353 = tpu.vector_load %arg8[%get3A_351, %get3A_352] {strides = array<i32>} : memref<2x1024xf32, #tpu.memory_space<vmem>>, vector<1x16xf32>,
      %get3A_354 = vector.shape_cast %get3A_353 : vector<1x16xf32> to vector<16xf32>
      %add3A_355 = arith.addf %add3A_349, %get3A_354 : vector<16xf32>
      %swap3A_356 = arith.index_cast %mul3A_338 : i32 to index
      %swap3A_357 = tpu.vector_load %arg9[%swap3A_356] {strides = array<i32>} : memref<1024xf32, #tpu.memory_space<vmem>>, vector<16xf32>,
      %swap3A_358 = vector.shape_cast %swap3A_357 : vector<16xf32> to vector<16xf32>
      %swap3A_359 = vector.shape_cast %add3A_355 : vector<16xf32> to vector<16xf32>
      tpu.vector_store %arg9[%swap3A_356], %swap3A_359 {strides = array<i32>} : memref<1024xf32, #tpu.memory_space<vmem>>, vector<16xf32>,
      %scan3A_360 = arith.constant 0 : i32
      scf.yield %scan3A_360 : i32
    }
    %scan3A_210 = arith.constant 16 : i32
    "tpu.region"() ({
      %run_scoped3A = tpu.sem_alloc : memref<!tpu.dma_semaphore, #tpu.memory_space<semaphore_mem>>
      %dma_start3A_253 = arith.constant 0 : i32
      %dma_start3A_254 = tpu.memref_slice %arg5[%arg1, %dma_start3A_253] : memref<28x1024xf32, #tpu.memory_space<hbm>> -> memref<1x1024xf32, #tpu.memory_space<hbm>>
      %dma_start3A_255 = tpu.memref_squeeze %dma_start3A_254 : memref<1x1024xf32, #tpu.memory_space<hbm>> -> memref<1024xf32, #tpu.memory_space<hbm>>
      %dma_start3A_256 = arith.constant 0 : i32
      %dma_start3A_257 = tpu.memref_slice %arg5[%arg1, %dma_start3A_256] : memref<28x1024xf32, #tpu.memory_space<hbm>> -> memref<1x1024xf32, #tpu.memory_space<hbm>>
      %dma_start3A_258 = tpu.memref_squeeze %dma_start3A_257 : memref<1x1024xf32, #tpu.memory_space<hbm>> -> memref<1024xf32, #tpu.memory_space<hbm>>
      tpu.enqueue_dma source(%arg9 : memref<1024xf32, #tpu.memory_space<vmem>>) target(%dma_start3A_258 : memref<1024xf32, #tpu.memory_space<hbm>>) target_semaphore(%run_scoped3A : memref<!tpu.dma_semaphore, #tpu.memory_space<semaphore_mem>>)
      %dma_wait3A_259 = arith.constant 0 : i32
      %dma_wait3A_260 = tpu.memref_slice %arg5[%arg1, %dma_wait3A_259] : memref<28x1024xf32, #tpu.memory_space<hbm>> -> memref<1x1024xf32, #tpu.memory_space<hbm>>
      %dma_wait3A_261 = tpu.memref_squeeze %dma_wait3A_260 : memref<1x1024xf32, #tpu.memory_space<hbm>> -> memref<1024xf32, #tpu.memory_space<hbm>>
      %dma_wait3A_262 = arith.constant 0 : i32
      %dma_wait3A_263 = tpu.memref_slice %arg5[%arg1, %dma_wait3A_262] : memref<28x1024xf32, #tpu.memory_space<hbm>> -> memref<1x1024xf32, #tpu.memory_space<hbm>>
      %dma_wait3A_264 = tpu.memref_squeeze %dma_wait3A_263 : memref<1x1024xf32, #tpu.memory_space<hbm>> -> memref<1024xf32, #tpu.memory_space<hbm>>
      tpu.wait_dma2 semaphore(%run_scoped3A : memref<!tpu.dma_semaphore, #tpu.memory_space<semaphore_mem>>) src(%arg9 : memref<1024xf32, #tpu.memory_space<vmem>>) dst(%dma_wait3A_264 : memref<1024xf32, #tpu.memory_space<hbm>>)
      tpu.yield
    }) : () -> ()
    %dma_wait3A_211 = arith.constant 1 : i32
    %dma_wait3A_212 = arith.constant 0 : i32
    %dma_wait3A_213 = tpu.memref_slice %arg6[%dma_wait3A_211, %dma_wait3A_212] : memref<2x1024xf32, #tpu.memory_space<vmem>> -> memref<1x1024xf32, #tpu.memory_space<vmem>>
    %dma_wait3A_214 = tpu.memref_squeeze %dma_wait3A_213 : memref<1x1024xf32, #tpu.memory_space<vmem>> -> memref<1024xf32, #tpu.memory_space<vmem>>
    %dma_wait3A_215 = arith.constant 0 : i32
    %dma_wait3A_216 = tpu.memref_slice %arg2[%select_n3A_68, %dma_wait3A_215] : memref<20x1024xf32, #tpu.memory_space<hbm>> -> memref<1x1024xf32, #tpu.memory_space<hbm>>
    %dma_wait3A_217 = tpu.memref_squeeze %dma_wait3A_216 : memref<1x1024xf32, #tpu.memory_space<hbm>> -> memref<1024xf32, #tpu.memory_space<hbm>>
    %dma_wait3A_218 = arith.constant 0 : i32
    %dma_wait3A_219 = tpu.memref_slice %arg6[%dma_wait3A_211, %dma_wait3A_218] : memref<2x1024xf32, #tpu.memory_space<vmem>> -> memref<1x1024xf32, #tpu.memory_space<vmem>>
    %dma_wait3A_220 = tpu.memref_squeeze %dma_wait3A_219 : memref<1x1024xf32, #tpu.memory_space<vmem>> -> memref<1024xf32, #tpu.memory_space<vmem>>
    %dma_wait3A_221 = arith.constant 0 : i32
    %dma_wait3A_222 = tpu.memref_slice %arg2[%select_n3A_68, %dma_wait3A_221] : memref<20x1024xf32, #tpu.memory_space<hbm>> -> memref<1x1024xf32, #tpu.memory_space<hbm>>
    %dma_wait3A_223 = tpu.memref_squeeze %dma_wait3A_222 : memref<1x1024xf32, #tpu.memory_space<hbm>> -> memref<1024xf32, #tpu.memory_space<hbm>>
    tpu.wait_dma2 semaphore(%arg13 : memref<!tpu.dma_semaphore, #tpu.memory_space<semaphore_mem>>) src(%dma_wait3A_223 : memref<1024xf32, #tpu.memory_space<hbm>>) dst(%dma_wait3A_220 : memref<1024xf32, #tpu.memory_space<vmem>>)
    %dma_wait3A_224 = arith.constant 1 : i32
    %dma_wait3A_225 = arith.constant 0 : i32
    %dma_wait3A_226 = tpu.memref_slice %arg7[%dma_wait3A_224, %dma_wait3A_225] : memref<2x1024xf32, #tpu.memory_space<vmem>> -> memref<1x1024xf32, #tpu.memory_space<vmem>>
    %dma_wait3A_227 = tpu.memref_squeeze %dma_wait3A_226 : memref<1x1024xf32, #tpu.memory_space<vmem>> -> memref<1024xf32, #tpu.memory_space<vmem>>
    %dma_wait3A_228 = arith.constant 0 : i32
    %dma_wait3A_229 = tpu.memref_slice %arg3[%select_n3A_86, %dma_wait3A_228] : memref<20x1024xf32, #tpu.memory_space<hbm>> -> memref<1x1024xf32, #tpu.memory_space<hbm>>
    %dma_wait3A_230 = tpu.memref_squeeze %dma_wait3A_229 : memref<1x1024xf32, #tpu.memory_space<hbm>> -> memref<1024xf32, #tpu.memory_space<hbm>>
    %dma_wait3A_231 = arith.constant 0 : i32
    %dma_wait3A_232 = tpu.memref_slice %arg7[%dma_wait3A_224, %dma_wait3A_231] : memref<2x1024xf32, #tpu.memory_space<vmem>> -> memref<1x1024xf32, #tpu.memory_space<vmem>>
    %dma_wait3A_233 = tpu.memref_squeeze %dma_wait3A_232 : memref<1x1024xf32, #tpu.memory_space<vmem>> -> memref<1024xf32, #tpu.memory_space<vmem>>
    %dma_wait3A_234 = arith.constant 0 : i32
    %dma_wait3A_235 = tpu.memref_slice %arg3[%select_n3A_86, %dma_wait3A_234] : memref<20x1024xf32, #tpu.memory_space<hbm>> -> memref<1x1024xf32, #tpu.memory_space<hbm>>
    %dma_wait3A_236 = tpu.memref_squeeze %dma_wait3A_235 : memref<1x1024xf32, #tpu.memory_space<hbm>> -> memref<1024xf32, #tpu.memory_space<hbm>>
    tpu.wait_dma2 semaphore(%arg14 : memref<!tpu.dma_semaphore, #tpu.memory_space<semaphore_mem>>) src(%dma_wait3A_236 : memref<1024xf32, #tpu.memory_space<hbm>>) dst(%dma_wait3A_233 : memref<1024xf32, #tpu.memory_space<vmem>>)
    %dma_wait3A_237 = arith.constant 1 : i32
    %dma_wait3A_238 = arith.constant 0 : i32
    %dma_wait3A_239 = tpu.memref_slice %arg8[%dma_wait3A_237, %dma_wait3A_238] : memref<2x1024xf32, #tpu.memory_space<vmem>> -> memref<1x1024xf32, #tpu.memory_space<vmem>>
    %dma_wait3A_240 = tpu.memref_squeeze %dma_wait3A_239 : memref<1x1024xf32, #tpu.memory_space<vmem>> -> memref<1024xf32, #tpu.memory_space<vmem>>
    %dma_wait3A_241 = arith.constant 0 : i32
    %dma_wait3A_242 = tpu.memref_slice %arg4[%select_n3A_89, %dma_wait3A_241] : memref<2x1024xf32, #tpu.memory_space<hbm>> -> memref<1x1024xf32, #tpu.memory_space<hbm>>
    %dma_wait3A_243 = tpu.memref_squeeze %dma_wait3A_242 : memref<1x1024xf32, #tpu.memory_space<hbm>> -> memref<1024xf32, #tpu.memory_space<hbm>>
    %dma_wait3A_244 = arith.constant 0 : i32
    %dma_wait3A_245 = tpu.memref_slice %arg8[%dma_wait3A_237, %dma_wait3A_244] : memref<2x1024xf32, #tpu.memory_space<vmem>> -> memref<1x1024xf32, #tpu.memory_space<vmem>>
    %dma_wait3A_246 = tpu.memref_squeeze %dma_wait3A_245 : memref<1x1024xf32, #tpu.memory_space<vmem>> -> memref<1024xf32, #tpu.memory_space<vmem>>
    %dma_wait3A_247 = arith.constant 0 : i32
    %dma_wait3A_248 = tpu.memref_slice %arg4[%select_n3A_89, %dma_wait3A_247] : memref<2x1024xf32, #tpu.memory_space<hbm>> -> memref<1x1024xf32, #tpu.memory_space<hbm>>
    %dma_wait3A_249 = tpu.memref_squeeze %dma_wait3A_248 : memref<1x1024xf32, #tpu.memory_space<hbm>> -> memref<1024xf32, #tpu.memory_space<hbm>>
    tpu.wait_dma2 semaphore(%arg15 : memref<!tpu.dma_semaphore, #tpu.memory_space<semaphore_mem>>) src(%dma_wait3A_249 : memref<1024xf32, #tpu.memory_space<hbm>>) dst(%dma_wait3A_246 : memref<1024xf32, #tpu.memory_space<vmem>>)
    %lt3A_250 = arith.constant 12 : i32
    %lt3A_251 = arith.cmpi slt, %arg1, %lt3A_250 : i32
    %convert_element_type3A = arith.extui %lt3A_251 : i1 to i32
    %cond3A = arith.constant 0 : i32
    %cond3A_252 = arith.cmpi ne, %convert_element_type3A, %cond3A : i32
    scf.if %cond3A_252 {
      %add3A_253 = arith.constant 16 : i32
      %add3A_254 = arith.addi %arg1, %add3A_253 : i32
      %scan3A_255 = arith.constant 0 : i32
      %scan3A_256 = arith.constant 0 : i32
      %scan3A_257 = arith.constant 16 : i32
      %scan3A_258 = arith.addi %scan3A_256, %scan3A_257 : i32
      %scan3A_259 = arith.constant 1 : i32
      %scan3A_260 = scf.for %scan3A_262 = %scan3A_256 to %scan3A_258 step %scan3A_259 iter_args(%scan3A_263 = %scan3A_255) -> (i32)  : i32 {
        %mul3A = arith.constant 4 : i32
        %mul3A_264 = arith.muli %scan3A_262, %mul3A : i32
        %add3A_265 = arith.constant 0 : i32
        %add3A_266 = arith.addi %mul3A_264, %add3A_265 : i32
        %mul3A_267 = arith.constant 16 : i32
        %mul3A_268 = arith.muli %add3A_266, %mul3A_267 : i32
        %get3A = arith.constant 1 : i32
        %get3A_269 = arith.index_cast %get3A : i32 to index
        %get3A_270 = arith.index_cast %mul3A_268 : i32 to index
        %get3A_271 = tpu.vector_load %arg6[%get3A_269, %get3A_270] {strides = array<i32>} : memref<2x1024xf32, #tpu.memory_space<vmem>>, vector<1x16xf32>,
        %get3A_272 = vector.shape_cast %get3A_271 : vector<1x16xf32> to vector<16xf32>
        %get3A_273 = arith.constant 1 : i32
        %get3A_274 = arith.index_cast %get3A_273 : i32 to index
        %get3A_275 = arith.index_cast %mul3A_268 : i32 to index
        %get3A_276 = tpu.vector_load %arg7[%get3A_274, %get3A_275] {strides = array<i32>} : memref<2x1024xf32, #tpu.memory_space<vmem>>, vector<1x16xf32>,
        %get3A_277 = vector.shape_cast %get3A_276 : vector<1x16xf32> to vector<16xf32>
        %add3A_278 = arith.addf %get3A_272, %get3A_277 : vector<16xf32>
        %get3A_279 = arith.constant 1 : i32
        %get3A_280 = arith.index_cast %get3A_279 : i32 to index
        %get3A_281 = arith.index_cast %mul3A_268 : i32 to index
        %get3A_282 = tpu.vector_load %arg8[%get3A_280, %get3A_281] {strides = array<i32>} : memref<2x1024xf32, #tpu.memory_space<vmem>>, vector<1x16xf32>,
        %get3A_283 = vector.shape_cast %get3A_282 : vector<1x16xf32> to vector<16xf32>
        %add3A_284 = arith.addf %add3A_278, %get3A_283 : vector<16xf32>
        %swap3A = arith.index_cast %mul3A_268 : i32 to index
        %swap3A_285 = tpu.vector_load %arg9[%swap3A] {strides = array<i32>} : memref<1024xf32, #tpu.memory_space<vmem>>, vector<16xf32>,
        %swap3A_286 = vector.shape_cast %swap3A_285 : vector<16xf32> to vector<16xf32>
        %swap3A_287 = vector.shape_cast %add3A_284 : vector<16xf32> to vector<16xf32>
        tpu.vector_store %arg9[%swap3A], %swap3A_287 {strides = array<i32>} : memref<1024xf32, #tpu.memory_space<vmem>>, vector<16xf32>,
        %mul3A_288 = arith.constant 4 : i32
        %mul3A_289 = arith.muli %scan3A_262, %mul3A_288 : i32
        %add3A_290 = arith.constant 1 : i32
        %add3A_291 = arith.addi %mul3A_289, %add3A_290 : i32
        %mul3A_292 = arith.constant 16 : i32
        %mul3A_293 = arith.muli %add3A_291, %mul3A_292 : i32
        %get3A_294 = arith.constant 1 : i32
        %get3A_295 = arith.index_cast %get3A_294 : i32 to index
        %get3A_296 = arith.index_cast %mul3A_293 : i32 to index
        %get3A_297 = tpu.vector_load %arg6[%get3A_295, %get3A_296] {strides = array<i32>} : memref<2x1024xf32, #tpu.memory_space<vmem>>, vector<1x16xf32>,
        %get3A_298 = vector.shape_cast %get3A_297 : vector<1x16xf32> to vector<16xf32>
        %get3A_299 = arith.constant 1 : i32
        %get3A_300 = arith.index_cast %get3A_299 : i32 to index
        %get3A_301 = arith.index_cast %mul3A_293 : i32 to index
        %get3A_302 = tpu.vector_load %arg7[%get3A_300, %get3A_301] {strides = array<i32>} : memref<2x1024xf32, #tpu.memory_space<vmem>>, vector<1x16xf32>,
        %get3A_303 = vector.shape_cast %get3A_302 : vector<1x16xf32> to vector<16xf32>
        %add3A_304 = arith.addf %get3A_298, %get3A_303 : vector<16xf32>
        %get3A_305 = arith.constant 1 : i32
        %get3A_306 = arith.index_cast %get3A_305 : i32 to index
        %get3A_307 = arith.index_cast %mul3A_293 : i32 to index
        %get3A_308 = tpu.vector_load %arg8[%get3A_306, %get3A_307] {strides = array<i32>} : memref<2x1024xf32, #tpu.memory_space<vmem>>, vector<1x16xf32>,
        %get3A_309 = vector.shape_cast %get3A_308 : vector<1x16xf32> to vector<16xf32>
        %add3A_310 = arith.addf %add3A_304, %get3A_309 : vector<16xf32>
        %swap3A_311 = arith.index_cast %mul3A_293 : i32 to index
        %swap3A_312 = tpu.vector_load %arg9[%swap3A_311] {strides = array<i32>} : memref<1024xf32, #tpu.memory_space<vmem>>, vector<16xf32>,
        %swap3A_313 = vector.shape_cast %swap3A_312 : vector<16xf32> to vector<16xf32>
        %swap3A_314 = vector.shape_cast %add3A_310 : vector<16xf32> to vector<16xf32>
        tpu.vector_store %arg9[%swap3A_311], %swap3A_314 {strides = array<i32>} : memref<1024xf32, #tpu.memory_space<vmem>>, vector<16xf32>,
        %mul3A_315 = arith.constant 4 : i32
        %mul3A_316 = arith.muli %scan3A_262, %mul3A_315 : i32
        %add3A_317 = arith.constant 2 : i32
        %add3A_318 = arith.addi %mul3A_316, %add3A_317 : i32
        %mul3A_319 = arith.constant 16 : i32
        %mul3A_320 = arith.muli %add3A_318, %mul3A_319 : i32
        %get3A_321 = arith.constant 1 : i32
        %get3A_322 = arith.index_cast %get3A_321 : i32 to index
        %get3A_323 = arith.index_cast %mul3A_320 : i32 to index
        %get3A_324 = tpu.vector_load %arg6[%get3A_322, %get3A_323] {strides = array<i32>} : memref<2x1024xf32, #tpu.memory_space<vmem>>, vector<1x16xf32>,
        %get3A_325 = vector.shape_cast %get3A_324 : vector<1x16xf32> to vector<16xf32>
        %get3A_326 = arith.constant 1 : i32
        %get3A_327 = arith.index_cast %get3A_326 : i32 to index
        %get3A_328 = arith.index_cast %mul3A_320 : i32 to index
        %get3A_329 = tpu.vector_load %arg7[%get3A_327, %get3A_328] {strides = array<i32>} : memref<2x1024xf32, #tpu.memory_space<vmem>>, vector<1x16xf32>,
        %get3A_330 = vector.shape_cast %get3A_329 : vector<1x16xf32> to vector<16xf32>
        %add3A_331 = arith.addf %get3A_325, %get3A_330 : vector<16xf32>
        %get3A_332 = arith.constant 1 : i32
        %get3A_333 = arith.index_cast %get3A_332 : i32 to index
        %get3A_334 = arith.index_cast %mul3A_320 : i32 to index
        %get3A_335 = tpu.vector_load %arg8[%get3A_333, %get3A_334] {strides = array<i32>} : memref<2x1024xf32, #tpu.memory_space<vmem>>, vector<1x16xf32>,
        %get3A_336 = vector.shape_cast %get3A_335 : vector<1x16xf32> to vector<16xf32>
        %add3A_337 = arith.addf %add3A_331, %get3A_336 : vector<16xf32>
        %swap3A_338 = arith.index_cast %mul3A_320 : i32 to index
        %swap3A_339 = tpu.vector_load %arg9[%swap3A_338] {strides = array<i32>} : memref<1024xf32, #tpu.memory_space<vmem>>, vector<16xf32>,
        %swap3A_340 = vector.shape_cast %swap3A_339 : vector<16xf32> to vector<16xf32>
        %swap3A_341 = vector.shape_cast %add3A_337 : vector<16xf32> to vector<16xf32>
        tpu.vector_store %arg9[%swap3A_338], %swap3A_341 {strides = array<i32>} : memref<1024xf32, #tpu.memory_space<vmem>>, vector<16xf32>,
        %mul3A_342 = arith.constant 4 : i32
        %mul3A_343 = arith.muli %scan3A_262, %mul3A_342 : i32
        %add3A_344 = arith.constant 3 : i32
        %add3A_345 = arith.addi %mul3A_343, %add3A_344 : i32
        %mul3A_346 = arith.constant 16 : i32
        %mul3A_347 = arith.muli %add3A_345, %mul3A_346 : i32
        %get3A_348 = arith.constant 1 : i32
        %get3A_349 = arith.index_cast %get3A_348 : i32 to index
        %get3A_350 = arith.index_cast %mul3A_347 : i32 to index
        %get3A_351 = tpu.vector_load %arg6[%get3A_349, %get3A_350] {strides = array<i32>} : memref<2x1024xf32, #tpu.memory_space<vmem>>, vector<1x16xf32>,
        %get3A_352 = vector.shape_cast %get3A_351 : vector<1x16xf32> to vector<16xf32>
        %get3A_353 = arith.constant 1 : i32
        %get3A_354 = arith.index_cast %get3A_353 : i32 to index
        %get3A_355 = arith.index_cast %mul3A_347 : i32 to index
        %get3A_356 = tpu.vector_load %arg7[%get3A_354, %get3A_355] {strides = array<i32>} : memref<2x1024xf32, #tpu.memory_space<vmem>>, vector<1x16xf32>,
        %get3A_357 = vector.shape_cast %get3A_356 : vector<1x16xf32> to vector<16xf32>
        %add3A_358 = arith.addf %get3A_352, %get3A_357 : vector<16xf32>
        %get3A_359 = arith.constant 1 : i32
        %get3A_360 = arith.index_cast %get3A_359 : i32 to index
        %get3A_361 = arith.index_cast %mul3A_347 : i32 to index
        %get3A_362 = tpu.vector_load %arg8[%get3A_360, %get3A_361] {strides = array<i32>} : memref<2x1024xf32, #tpu.memory_space<vmem>>, vector<1x16xf32>,
        %get3A_363 = vector.shape_cast %get3A_362 : vector<1x16xf32> to vector<16xf32>
        %add3A_364 = arith.addf %add3A_358, %get3A_363 : vector<16xf32>
        %swap3A_365 = arith.index_cast %mul3A_347 : i32 to index
        %swap3A_366 = tpu.vector_load %arg9[%swap3A_365] {strides = array<i32>} : memref<1024xf32, #tpu.memory_space<vmem>>, vector<16xf32>,
        %swap3A_367 = vector.shape_cast %swap3A_366 : vector<16xf32> to vector<16xf32>
        %swap3A_368 = vector.shape_cast %add3A_364 : vector<16xf32> to vector<16xf32>
        tpu.vector_store %arg9[%swap3A_365], %swap3A_368 {strides = array<i32>} : memref<1024xf32, #tpu.memory_space<vmem>>, vector<16xf32>,
        %scan3A_369 = arith.constant 0 : i32
        scf.yield %scan3A_369 : i32
      }
      %scan3A_261 = arith.constant 16 : i32
      "tpu.region"() ({
        %run_scoped3A = tpu.sem_alloc : memref<!tpu.dma_semaphore, #tpu.memory_space<semaphore_mem>>
        %dma_start3A_262 = arith.constant 0 : i32
        %dma_start3A_263 = tpu.memref_slice %arg5[%add3A_254, %dma_start3A_262] : memref<28x1024xf32, #tpu.memory_space<hbm>> -> memref<1x1024xf32, #tpu.memory_space<hbm>>
        %dma_start3A_264 = tpu.memref_squeeze %dma_start3A_263 : memref<1x1024xf32, #tpu.memory_space<hbm>> -> memref<1024xf32, #tpu.memory_space<hbm>>
        %dma_start3A_265 = arith.constant 0 : i32
        %dma_start3A_266 = tpu.memref_slice %arg5[%add3A_254, %dma_start3A_265] : memref<28x1024xf32, #tpu.memory_space<hbm>> -> memref<1x1024xf32, #tpu.memory_space<hbm>>
        %dma_start3A_267 = tpu.memref_squeeze %dma_start3A_266 : memref<1x1024xf32, #tpu.memory_space<hbm>> -> memref<1024xf32, #tpu.memory_space<hbm>>
        tpu.enqueue_dma source(%arg9 : memref<1024xf32, #tpu.memory_space<vmem>>) target(%dma_start3A_267 : memref<1024xf32, #tpu.memory_space<hbm>>) target_semaphore(%run_scoped3A : memref<!tpu.dma_semaphore, #tpu.memory_space<semaphore_mem>>)
        %dma_wait3A_268 = arith.constant 0 : i32
        %dma_wait3A_269 = tpu.memref_slice %arg5[%add3A_254, %dma_wait3A_268] : memref<28x1024xf32, #tpu.memory_space<hbm>> -> memref<1x1024xf32, #tpu.memory_space<hbm>>
        %dma_wait3A_270 = tpu.memref_squeeze %dma_wait3A_269 : memref<1x1024xf32, #tpu.memory_space<hbm>> -> memref<1024xf32, #tpu.memory_space<hbm>>
        %dma_wait3A_271 = arith.constant 0 : i32
        %dma_wait3A_272 = tpu.memref_slice %arg5[%add3A_254, %dma_wait3A_271] : memref<28x1024xf32, #tpu.memory_space<hbm>> -> memref<1x1024xf32, #tpu.memory_space<hbm>>
        %dma_wait3A_273 = tpu.memref_squeeze %dma_wait3A_272 : memref<1x1024xf32, #tpu.memory_space<hbm>> -> memref<1024xf32, #tpu.memory_space<hbm>>
        tpu.wait_dma2 semaphore(%run_scoped3A : memref<!tpu.dma_semaphore, #tpu.memory_space<semaphore_mem>>) src(%arg9 : memref<1024xf32, #tpu.memory_space<vmem>>) dst(%dma_wait3A_273 : memref<1024xf32, #tpu.memory_space<hbm>>)
        tpu.yield
      }) : () -> ()
    } else {
    }
    return
  }
}

module attributes {stable_mosaic.version = 14 : i64} {
  func.func @_tc_body(%arg0: i32, %arg1: memref<16xi32, #tpu.memory_space<smem>>, %arg2: memref<1x64x1024xf32, #tpu.memory_space<vmem>>, %arg3: memref<28x1024xf32, #tpu.memory_space<vmem>>, %arg4: memref<2x1024xf32, #tpu.memory_space<vmem>>, %arg5: memref<1x1792x1024xf32, #tpu.memory_space<vmem>>) attributes {dimension_semantics = [#tpu.dimension_semantics<arbitrary>], iteration_bounds = array<i64: 16>, scalar_prefetch = 0 : i64, scratch_operands = 0 : i64, tpu.core_type = #tpu.core_type<tc>, window_params = [{transform_indices = @transform_0, window_bounds = array<i64: 16>}, {pipeline_mode = #tpu.pipeline_mode<synchronous>, transform_indices = @transform_1, window_bounds = array<i64: 1, 64, 1024>}, {pipeline_mode = #tpu.pipeline_mode<synchronous>, transform_indices = @transform_2, window_bounds = array<i64: 28, 1024>}, {pipeline_mode = #tpu.pipeline_mode<synchronous>, transform_indices = @transform_3, window_bounds = array<i64: 2, 1024>}, {transform_indices = @transform_4, window_bounds = array<i64: 1, 1792, 1024>}]} {
    %get3A = arith.index_cast %arg0 : i32 to index
    %get3A_0 = memref.load %arg1[%get3A] : memref<16xi32, #tpu.memory_space<smem>>
    %eq3A = arith.constant 0 : i32
    %eq3A_1 = arith.cmpi eq, %get3A_0, %eq3A : i32
    %get3A_2 = arith.constant 0 : index
    %get3A_3 = arith.constant 0 : index
    %get3A_4 = vector.load %arg4[%get3A_2, %get3A_3] : memref<2x1024xf32, #tpu.memory_space<vmem>>, vector<1x1024xf32>
    %get3A_5 = vector.shape_cast %get3A_4 : vector<1x1024xf32> to vector<1024xf32>
    %get3A_6 = arith.constant 1 : index
    %get3A_7 = arith.constant 0 : index
    %get3A_8 = vector.load %arg4[%get3A_6, %get3A_7] : memref<2x1024xf32, #tpu.memory_space<vmem>>, vector<1x1024xf32>
    %get3A_9 = vector.shape_cast %get3A_8 : vector<1x1024xf32> to vector<1024xf32>
    %select_n3A = arith.select %eq3A_1, %get3A_5, %get3A_9 : vector<1024xf32>
    %get3A_10 = arith.constant 0 : index
    %get3A_11 = arith.constant 0 : index
    %get3A_12 = arith.constant 0 : index
    %get3A_13 = vector.load %arg2[%get3A_10, %get3A_11, %get3A_12] : memref<1x64x1024xf32, #tpu.memory_space<vmem>>, vector<1x64x1024xf32>
    %get3A_14 = vector.shape_cast %get3A_13 : vector<1x64x1024xf32> to vector<64x1024xf32>
    %broadcast_in_dim3A = vector.shape_cast %select_n3A : vector<1024xf32> to vector<1x1024xf32>
    %add3A = vector.broadcast %broadcast_in_dim3A : vector<1x1024xf32> to vector<64x1024xf32>
    %add3A_15 = arith.addf %get3A_14, %add3A : vector<64x1024xf32>
    %get3A_16 = arith.constant 0 : index
    %get3A_17 = arith.constant 0 : index
    %get3A_18 = vector.load %arg3[%get3A_16, %get3A_17] : memref<28x1024xf32, #tpu.memory_space<vmem>>, vector<1x1024xf32>
    %get3A_19 = vector.shape_cast %get3A_18 : vector<1x1024xf32> to vector<1024xf32>
    %broadcast_in_dim3A_20 = vector.shape_cast %get3A_19 : vector<1024xf32> to vector<1x1024xf32>
    %add3A_21 = vector.broadcast %broadcast_in_dim3A_20 : vector<1x1024xf32> to vector<64x1024xf32>
    %add3A_22 = arith.addf %add3A_15, %add3A_21 : vector<64x1024xf32>
    %swap3A = arith.constant 0 : index
    %swap3A_23 = arith.constant 0 : index
    %swap3A_24 = arith.constant 0 : index
    %swap3A_25 = vector.load %arg5[%swap3A, %swap3A_23, %swap3A_24] : memref<1x1792x1024xf32, #tpu.memory_space<vmem>>, vector<1x64x1024xf32>
    %swap3A_26 = vector.shape_cast %swap3A_25 : vector<1x64x1024xf32> to vector<64x1024xf32>
    %swap3A_27 = vector.shape_cast %add3A_22 : vector<64x1024xf32> to vector<1x64x1024xf32>
    tpu.vector_store %arg5[%swap3A, %swap3A_23, %swap3A_24], %swap3A_27 {strides = array<i32>} : memref<1x1792x1024xf32, #tpu.memory_space<vmem>>, vector<1x64x1024xf32>,
    %get3A_28 = arith.constant 1 : index
    %get3A_29 = arith.constant 0 : index
    %get3A_30 = vector.load %arg3[%get3A_28, %get3A_29] : memref<28x1024xf32, #tpu.memory_space<vmem>>, vector<1x1024xf32>
    %get3A_31 = vector.shape_cast %get3A_30 : vector<1x1024xf32> to vector<1024xf32>
    %broadcast_in_dim3A_32 = vector.shape_cast %get3A_31 : vector<1024xf32> to vector<1x1024xf32>
    %add3A_33 = vector.broadcast %broadcast_in_dim3A_32 : vector<1x1024xf32> to vector<64x1024xf32>
    %add3A_34 = arith.addf %add3A_15, %add3A_33 : vector<64x1024xf32>
    %swap3A_35 = arith.constant 0 : index
    %swap3A_36 = arith.constant 64 : index
    %swap3A_37 = arith.constant 0 : index
    %swap3A_38 = vector.load %arg5[%swap3A_35, %swap3A_36, %swap3A_37] : memref<1x1792x1024xf32, #tpu.memory_space<vmem>>, vector<1x64x1024xf32>
    %swap3A_39 = vector.shape_cast %swap3A_38 : vector<1x64x1024xf32> to vector<64x1024xf32>
    %swap3A_40 = vector.shape_cast %add3A_34 : vector<64x1024xf32> to vector<1x64x1024xf32>
    tpu.vector_store %arg5[%swap3A_35, %swap3A_36, %swap3A_37], %swap3A_40 {strides = array<i32>} : memref<1x1792x1024xf32, #tpu.memory_space<vmem>>, vector<1x64x1024xf32>,
    %get3A_41 = arith.constant 2 : index
    %get3A_42 = arith.constant 0 : index
    %get3A_43 = vector.load %arg3[%get3A_41, %get3A_42] : memref<28x1024xf32, #tpu.memory_space<vmem>>, vector<1x1024xf32>
    %get3A_44 = vector.shape_cast %get3A_43 : vector<1x1024xf32> to vector<1024xf32>
    %broadcast_in_dim3A_45 = vector.shape_cast %get3A_44 : vector<1024xf32> to vector<1x1024xf32>
    %add3A_46 = vector.broadcast %broadcast_in_dim3A_45 : vector<1x1024xf32> to vector<64x1024xf32>
    %add3A_47 = arith.addf %add3A_15, %add3A_46 : vector<64x1024xf32>
    %swap3A_48 = arith.constant 0 : index
    %swap3A_49 = arith.constant 128 : index
    %swap3A_50 = arith.constant 0 : index
    %swap3A_51 = vector.load %arg5[%swap3A_48, %swap3A_49, %swap3A_50] : memref<1x1792x1024xf32, #tpu.memory_space<vmem>>, vector<1x64x1024xf32>
    %swap3A_52 = vector.shape_cast %swap3A_51 : vector<1x64x1024xf32> to vector<64x1024xf32>
    %swap3A_53 = vector.shape_cast %add3A_47 : vector<64x1024xf32> to vector<1x64x1024xf32>
    tpu.vector_store %arg5[%swap3A_48, %swap3A_49, %swap3A_50], %swap3A_53 {strides = array<i32>} : memref<1x1792x1024xf32, #tpu.memory_space<vmem>>, vector<1x64x1024xf32>,
    %get3A_54 = arith.constant 3 : index
    %get3A_55 = arith.constant 0 : index
    %get3A_56 = vector.load %arg3[%get3A_54, %get3A_55] : memref<28x1024xf32, #tpu.memory_space<vmem>>, vector<1x1024xf32>
    %get3A_57 = vector.shape_cast %get3A_56 : vector<1x1024xf32> to vector<1024xf32>
    %broadcast_in_dim3A_58 = vector.shape_cast %get3A_57 : vector<1024xf32> to vector<1x1024xf32>
    %add3A_59 = vector.broadcast %broadcast_in_dim3A_58 : vector<1x1024xf32> to vector<64x1024xf32>
    %add3A_60 = arith.addf %add3A_15, %add3A_59 : vector<64x1024xf32>
    %swap3A_61 = arith.constant 0 : index
    %swap3A_62 = arith.constant 192 : index
    %swap3A_63 = arith.constant 0 : index
    %swap3A_64 = vector.load %arg5[%swap3A_61, %swap3A_62, %swap3A_63] : memref<1x1792x1024xf32, #tpu.memory_space<vmem>>, vector<1x64x1024xf32>
    %swap3A_65 = vector.shape_cast %swap3A_64 : vector<1x64x1024xf32> to vector<64x1024xf32>
    %swap3A_66 = vector.shape_cast %add3A_60 : vector<64x1024xf32> to vector<1x64x1024xf32>
    tpu.vector_store %arg5[%swap3A_61, %swap3A_62, %swap3A_63], %swap3A_66 {strides = array<i32>} : memref<1x1792x1024xf32, #tpu.memory_space<vmem>>, vector<1x64x1024xf32>,
    %get3A_67 = arith.constant 4 : index
    %get3A_68 = arith.constant 0 : index
    %get3A_69 = vector.load %arg3[%get3A_67, %get3A_68] : memref<28x1024xf32, #tpu.memory_space<vmem>>, vector<1x1024xf32>
    %get3A_70 = vector.shape_cast %get3A_69 : vector<1x1024xf32> to vector<1024xf32>
    %broadcast_in_dim3A_71 = vector.shape_cast %get3A_70 : vector<1024xf32> to vector<1x1024xf32>
    %add3A_72 = vector.broadcast %broadcast_in_dim3A_71 : vector<1x1024xf32> to vector<64x1024xf32>
    %add3A_73 = arith.addf %add3A_15, %add3A_72 : vector<64x1024xf32>
    %swap3A_74 = arith.constant 0 : index
    %swap3A_75 = arith.constant 256 : index
    %swap3A_76 = arith.constant 0 : index
    %swap3A_77 = vector.load %arg5[%swap3A_74, %swap3A_75, %swap3A_76] : memref<1x1792x1024xf32, #tpu.memory_space<vmem>>, vector<1x64x1024xf32>
    %swap3A_78 = vector.shape_cast %swap3A_77 : vector<1x64x1024xf32> to vector<64x1024xf32>
    %swap3A_79 = vector.shape_cast %add3A_73 : vector<64x1024xf32> to vector<1x64x1024xf32>
    tpu.vector_store %arg5[%swap3A_74, %swap3A_75, %swap3A_76], %swap3A_79 {strides = array<i32>} : memref<1x1792x1024xf32, #tpu.memory_space<vmem>>, vector<1x64x1024xf32>,
    %get3A_80 = arith.constant 5 : index
    %get3A_81 = arith.constant 0 : index
    %get3A_82 = vector.load %arg3[%get3A_80, %get3A_81] : memref<28x1024xf32, #tpu.memory_space<vmem>>, vector<1x1024xf32>
    %get3A_83 = vector.shape_cast %get3A_82 : vector<1x1024xf32> to vector<1024xf32>
    %broadcast_in_dim3A_84 = vector.shape_cast %get3A_83 : vector<1024xf32> to vector<1x1024xf32>
    %add3A_85 = vector.broadcast %broadcast_in_dim3A_84 : vector<1x1024xf32> to vector<64x1024xf32>
    %add3A_86 = arith.addf %add3A_15, %add3A_85 : vector<64x1024xf32>
    %swap3A_87 = arith.constant 0 : index
    %swap3A_88 = arith.constant 320 : index
    %swap3A_89 = arith.constant 0 : index
    %swap3A_90 = vector.load %arg5[%swap3A_87, %swap3A_88, %swap3A_89] : memref<1x1792x1024xf32, #tpu.memory_space<vmem>>, vector<1x64x1024xf32>
    %swap3A_91 = vector.shape_cast %swap3A_90 : vector<1x64x1024xf32> to vector<64x1024xf32>
    %swap3A_92 = vector.shape_cast %add3A_86 : vector<64x1024xf32> to vector<1x64x1024xf32>
    tpu.vector_store %arg5[%swap3A_87, %swap3A_88, %swap3A_89], %swap3A_92 {strides = array<i32>} : memref<1x1792x1024xf32, #tpu.memory_space<vmem>>, vector<1x64x1024xf32>,
    %get3A_93 = arith.constant 6 : index
    %get3A_94 = arith.constant 0 : index
    %get3A_95 = vector.load %arg3[%get3A_93, %get3A_94] : memref<28x1024xf32, #tpu.memory_space<vmem>>, vector<1x1024xf32>
    %get3A_96 = vector.shape_cast %get3A_95 : vector<1x1024xf32> to vector<1024xf32>
    %broadcast_in_dim3A_97 = vector.shape_cast %get3A_96 : vector<1024xf32> to vector<1x1024xf32>
    %add3A_98 = vector.broadcast %broadcast_in_dim3A_97 : vector<1x1024xf32> to vector<64x1024xf32>
    %add3A_99 = arith.addf %add3A_15, %add3A_98 : vector<64x1024xf32>
    %swap3A_100 = arith.constant 0 : index
    %swap3A_101 = arith.constant 384 : index
    %swap3A_102 = arith.constant 0 : index
    %swap3A_103 = vector.load %arg5[%swap3A_100, %swap3A_101, %swap3A_102] : memref<1x1792x1024xf32, #tpu.memory_space<vmem>>, vector<1x64x1024xf32>
    %swap3A_104 = vector.shape_cast %swap3A_103 : vector<1x64x1024xf32> to vector<64x1024xf32>
    %swap3A_105 = vector.shape_cast %add3A_99 : vector<64x1024xf32> to vector<1x64x1024xf32>
    tpu.vector_store %arg5[%swap3A_100, %swap3A_101, %swap3A_102], %swap3A_105 {strides = array<i32>} : memref<1x1792x1024xf32, #tpu.memory_space<vmem>>, vector<1x64x1024xf32>,
    %get3A_106 = arith.constant 7 : index
    %get3A_107 = arith.constant 0 : index
    %get3A_108 = vector.load %arg3[%get3A_106, %get3A_107] : memref<28x1024xf32, #tpu.memory_space<vmem>>, vector<1x1024xf32>
    %get3A_109 = vector.shape_cast %get3A_108 : vector<1x1024xf32> to vector<1024xf32>
    %broadcast_in_dim3A_110 = vector.shape_cast %get3A_109 : vector<1024xf32> to vector<1x1024xf32>
    %add3A_111 = vector.broadcast %broadcast_in_dim3A_110 : vector<1x1024xf32> to vector<64x1024xf32>
    %add3A_112 = arith.addf %add3A_15, %add3A_111 : vector<64x1024xf32>
    %swap3A_113 = arith.constant 0 : index
    %swap3A_114 = arith.constant 448 : index
    %swap3A_115 = arith.constant 0 : index
    %swap3A_116 = vector.load %arg5[%swap3A_113, %swap3A_114, %swap3A_115] : memref<1x1792x1024xf32, #tpu.memory_space<vmem>>, vector<1x64x1024xf32>
    %swap3A_117 = vector.shape_cast %swap3A_116 : vector<1x64x1024xf32> to vector<64x1024xf32>
    %swap3A_118 = vector.shape_cast %add3A_112 : vector<64x1024xf32> to vector<1x64x1024xf32>
    tpu.vector_store %arg5[%swap3A_113, %swap3A_114, %swap3A_115], %swap3A_118 {strides = array<i32>} : memref<1x1792x1024xf32, #tpu.memory_space<vmem>>, vector<1x64x1024xf32>,
    %get3A_119 = arith.constant 8 : index
    %get3A_120 = arith.constant 0 : index
    %get3A_121 = vector.load %arg3[%get3A_119, %get3A_120] : memref<28x1024xf32, #tpu.memory_space<vmem>>, vector<1x1024xf32>
    %get3A_122 = vector.shape_cast %get3A_121 : vector<1x1024xf32> to vector<1024xf32>
    %broadcast_in_dim3A_123 = vector.shape_cast %get3A_122 : vector<1024xf32> to vector<1x1024xf32>
    %add3A_124 = vector.broadcast %broadcast_in_dim3A_123 : vector<1x1024xf32> to vector<64x1024xf32>
    %add3A_125 = arith.addf %add3A_15, %add3A_124 : vector<64x1024xf32>
    %swap3A_126 = arith.constant 0 : index
    %swap3A_127 = arith.constant 512 : index
    %swap3A_128 = arith.constant 0 : index
    %swap3A_129 = vector.load %arg5[%swap3A_126, %swap3A_127, %swap3A_128] : memref<1x1792x1024xf32, #tpu.memory_space<vmem>>, vector<1x64x1024xf32>
    %swap3A_130 = vector.shape_cast %swap3A_129 : vector<1x64x1024xf32> to vector<64x1024xf32>
    %swap3A_131 = vector.shape_cast %add3A_125 : vector<64x1024xf32> to vector<1x64x1024xf32>
    tpu.vector_store %arg5[%swap3A_126, %swap3A_127, %swap3A_128], %swap3A_131 {strides = array<i32>} : memref<1x1792x1024xf32, #tpu.memory_space<vmem>>, vector<1x64x1024xf32>,
    %get3A_132 = arith.constant 9 : index
    %get3A_133 = arith.constant 0 : index
    %get3A_134 = vector.load %arg3[%get3A_132, %get3A_133] : memref<28x1024xf32, #tpu.memory_space<vmem>>, vector<1x1024xf32>
    %get3A_135 = vector.shape_cast %get3A_134 : vector<1x1024xf32> to vector<1024xf32>
    %broadcast_in_dim3A_136 = vector.shape_cast %get3A_135 : vector<1024xf32> to vector<1x1024xf32>
    %add3A_137 = vector.broadcast %broadcast_in_dim3A_136 : vector<1x1024xf32> to vector<64x1024xf32>
    %add3A_138 = arith.addf %add3A_15, %add3A_137 : vector<64x1024xf32>
    %swap3A_139 = arith.constant 0 : index
    %swap3A_140 = arith.constant 576 : index
    %swap3A_141 = arith.constant 0 : index
    %swap3A_142 = vector.load %arg5[%swap3A_139, %swap3A_140, %swap3A_141] : memref<1x1792x1024xf32, #tpu.memory_space<vmem>>, vector<1x64x1024xf32>
    %swap3A_143 = vector.shape_cast %swap3A_142 : vector<1x64x1024xf32> to vector<64x1024xf32>
    %swap3A_144 = vector.shape_cast %add3A_138 : vector<64x1024xf32> to vector<1x64x1024xf32>
    tpu.vector_store %arg5[%swap3A_139, %swap3A_140, %swap3A_141], %swap3A_144 {strides = array<i32>} : memref<1x1792x1024xf32, #tpu.memory_space<vmem>>, vector<1x64x1024xf32>,
    %get3A_145 = arith.constant 10 : index
    %get3A_146 = arith.constant 0 : index
    %get3A_147 = vector.load %arg3[%get3A_145, %get3A_146] : memref<28x1024xf32, #tpu.memory_space<vmem>>, vector<1x1024xf32>
    %get3A_148 = vector.shape_cast %get3A_147 : vector<1x1024xf32> to vector<1024xf32>
    %broadcast_in_dim3A_149 = vector.shape_cast %get3A_148 : vector<1024xf32> to vector<1x1024xf32>
    %add3A_150 = vector.broadcast %broadcast_in_dim3A_149 : vector<1x1024xf32> to vector<64x1024xf32>
    %add3A_151 = arith.addf %add3A_15, %add3A_150 : vector<64x1024xf32>
    %swap3A_152 = arith.constant 0 : index
    %swap3A_153 = arith.constant 640 : index
    %swap3A_154 = arith.constant 0 : index
    %swap3A_155 = vector.load %arg5[%swap3A_152, %swap3A_153, %swap3A_154] : memref<1x1792x1024xf32, #tpu.memory_space<vmem>>, vector<1x64x1024xf32>
    %swap3A_156 = vector.shape_cast %swap3A_155 : vector<1x64x1024xf32> to vector<64x1024xf32>
    %swap3A_157 = vector.shape_cast %add3A_151 : vector<64x1024xf32> to vector<1x64x1024xf32>
    tpu.vector_store %arg5[%swap3A_152, %swap3A_153, %swap3A_154], %swap3A_157 {strides = array<i32>} : memref<1x1792x1024xf32, #tpu.memory_space<vmem>>, vector<1x64x1024xf32>,
    %get3A_158 = arith.constant 11 : index
    %get3A_159 = arith.constant 0 : index
    %get3A_160 = vector.load %arg3[%get3A_158, %get3A_159] : memref<28x1024xf32, #tpu.memory_space<vmem>>, vector<1x1024xf32>
    %get3A_161 = vector.shape_cast %get3A_160 : vector<1x1024xf32> to vector<1024xf32>
    %broadcast_in_dim3A_162 = vector.shape_cast %get3A_161 : vector<1024xf32> to vector<1x1024xf32>
    %add3A_163 = vector.broadcast %broadcast_in_dim3A_162 : vector<1x1024xf32> to vector<64x1024xf32>
    %add3A_164 = arith.addf %add3A_15, %add3A_163 : vector<64x1024xf32>
    %swap3A_165 = arith.constant 0 : index
    %swap3A_166 = arith.constant 704 : index
    %swap3A_167 = arith.constant 0 : index
    %swap3A_168 = vector.load %arg5[%swap3A_165, %swap3A_166, %swap3A_167] : memref<1x1792x1024xf32, #tpu.memory_space<vmem>>, vector<1x64x1024xf32>
    %swap3A_169 = vector.shape_cast %swap3A_168 : vector<1x64x1024xf32> to vector<64x1024xf32>
    %swap3A_170 = vector.shape_cast %add3A_164 : vector<64x1024xf32> to vector<1x64x1024xf32>
    tpu.vector_store %arg5[%swap3A_165, %swap3A_166, %swap3A_167], %swap3A_170 {strides = array<i32>} : memref<1x1792x1024xf32, #tpu.memory_space<vmem>>, vector<1x64x1024xf32>,
    %get3A_171 = arith.constant 12 : index
    %get3A_172 = arith.constant 0 : index
    %get3A_173 = vector.load %arg3[%get3A_171, %get3A_172] : memref<28x1024xf32, #tpu.memory_space<vmem>>, vector<1x1024xf32>
    %get3A_174 = vector.shape_cast %get3A_173 : vector<1x1024xf32> to vector<1024xf32>
    %broadcast_in_dim3A_175 = vector.shape_cast %get3A_174 : vector<1024xf32> to vector<1x1024xf32>
    %add3A_176 = vector.broadcast %broadcast_in_dim3A_175 : vector<1x1024xf32> to vector<64x1024xf32>
    %add3A_177 = arith.addf %add3A_15, %add3A_176 : vector<64x1024xf32>
    %swap3A_178 = arith.constant 0 : index
    %swap3A_179 = arith.constant 768 : index
    %swap3A_180 = arith.constant 0 : index
    %swap3A_181 = vector.load %arg5[%swap3A_178, %swap3A_179, %swap3A_180] : memref<1x1792x1024xf32, #tpu.memory_space<vmem>>, vector<1x64x1024xf32>
    %swap3A_182 = vector.shape_cast %swap3A_181 : vector<1x64x1024xf32> to vector<64x1024xf32>
    %swap3A_183 = vector.shape_cast %add3A_177 : vector<64x1024xf32> to vector<1x64x1024xf32>
    tpu.vector_store %arg5[%swap3A_178, %swap3A_179, %swap3A_180], %swap3A_183 {strides = array<i32>} : memref<1x1792x1024xf32, #tpu.memory_space<vmem>>, vector<1x64x1024xf32>,
    %get3A_184 = arith.constant 13 : index
    %get3A_185 = arith.constant 0 : index
    %get3A_186 = vector.load %arg3[%get3A_184, %get3A_185] : memref<28x1024xf32, #tpu.memory_space<vmem>>, vector<1x1024xf32>
    %get3A_187 = vector.shape_cast %get3A_186 : vector<1x1024xf32> to vector<1024xf32>
    %broadcast_in_dim3A_188 = vector.shape_cast %get3A_187 : vector<1024xf32> to vector<1x1024xf32>
    %add3A_189 = vector.broadcast %broadcast_in_dim3A_188 : vector<1x1024xf32> to vector<64x1024xf32>
    %add3A_190 = arith.addf %add3A_15, %add3A_189 : vector<64x1024xf32>
    %swap3A_191 = arith.constant 0 : index
    %swap3A_192 = arith.constant 832 : index
    %swap3A_193 = arith.constant 0 : index
    %swap3A_194 = vector.load %arg5[%swap3A_191, %swap3A_192, %swap3A_193] : memref<1x1792x1024xf32, #tpu.memory_space<vmem>>, vector<1x64x1024xf32>
    %swap3A_195 = vector.shape_cast %swap3A_194 : vector<1x64x1024xf32> to vector<64x1024xf32>
    %swap3A_196 = vector.shape_cast %add3A_190 : vector<64x1024xf32> to vector<1x64x1024xf32>
    tpu.vector_store %arg5[%swap3A_191, %swap3A_192, %swap3A_193], %swap3A_196 {strides = array<i32>} : memref<1x1792x1024xf32, #tpu.memory_space<vmem>>, vector<1x64x1024xf32>,
    %get3A_197 = arith.constant 14 : index
    %get3A_198 = arith.constant 0 : index
    %get3A_199 = vector.load %arg3[%get3A_197, %get3A_198] : memref<28x1024xf32, #tpu.memory_space<vmem>>, vector<1x1024xf32>
    %get3A_200 = vector.shape_cast %get3A_199 : vector<1x1024xf32> to vector<1024xf32>
    %broadcast_in_dim3A_201 = vector.shape_cast %get3A_200 : vector<1024xf32> to vector<1x1024xf32>
    %add3A_202 = vector.broadcast %broadcast_in_dim3A_201 : vector<1x1024xf32> to vector<64x1024xf32>
    %add3A_203 = arith.addf %add3A_15, %add3A_202 : vector<64x1024xf32>
    %swap3A_204 = arith.constant 0 : index
    %swap3A_205 = arith.constant 896 : index
    %swap3A_206 = arith.constant 0 : index
    %swap3A_207 = vector.load %arg5[%swap3A_204, %swap3A_205, %swap3A_206] : memref<1x1792x1024xf32, #tpu.memory_space<vmem>>, vector<1x64x1024xf32>
    %swap3A_208 = vector.shape_cast %swap3A_207 : vector<1x64x1024xf32> to vector<64x1024xf32>
    %swap3A_209 = vector.shape_cast %add3A_203 : vector<64x1024xf32> to vector<1x64x1024xf32>
    tpu.vector_store %arg5[%swap3A_204, %swap3A_205, %swap3A_206], %swap3A_209 {strides = array<i32>} : memref<1x1792x1024xf32, #tpu.memory_space<vmem>>, vector<1x64x1024xf32>,
    %get3A_210 = arith.constant 15 : index
    %get3A_211 = arith.constant 0 : index
    %get3A_212 = vector.load %arg3[%get3A_210, %get3A_211] : memref<28x1024xf32, #tpu.memory_space<vmem>>, vector<1x1024xf32>
    %get3A_213 = vector.shape_cast %get3A_212 : vector<1x1024xf32> to vector<1024xf32>
    %broadcast_in_dim3A_214 = vector.shape_cast %get3A_213 : vector<1024xf32> to vector<1x1024xf32>
    %add3A_215 = vector.broadcast %broadcast_in_dim3A_214 : vector<1x1024xf32> to vector<64x1024xf32>
    %add3A_216 = arith.addf %add3A_15, %add3A_215 : vector<64x1024xf32>
    %swap3A_217 = arith.constant 0 : index
    %swap3A_218 = arith.constant 960 : index
    %swap3A_219 = arith.constant 0 : index
    %swap3A_220 = vector.load %arg5[%swap3A_217, %swap3A_218, %swap3A_219] : memref<1x1792x1024xf32, #tpu.memory_space<vmem>>, vector<1x64x1024xf32>
    %swap3A_221 = vector.shape_cast %swap3A_220 : vector<1x64x1024xf32> to vector<64x1024xf32>
    %swap3A_222 = vector.shape_cast %add3A_216 : vector<64x1024xf32> to vector<1x64x1024xf32>
    tpu.vector_store %arg5[%swap3A_217, %swap3A_218, %swap3A_219], %swap3A_222 {strides = array<i32>} : memref<1x1792x1024xf32, #tpu.memory_space<vmem>>, vector<1x64x1024xf32>,
    %get3A_223 = arith.constant 16 : index
    %get3A_224 = arith.constant 0 : index
    %get3A_225 = vector.load %arg3[%get3A_223, %get3A_224] : memref<28x1024xf32, #tpu.memory_space<vmem>>, vector<1x1024xf32>
    %get3A_226 = vector.shape_cast %get3A_225 : vector<1x1024xf32> to vector<1024xf32>
    %broadcast_in_dim3A_227 = vector.shape_cast %get3A_226 : vector<1024xf32> to vector<1x1024xf32>
    %add3A_228 = vector.broadcast %broadcast_in_dim3A_227 : vector<1x1024xf32> to vector<64x1024xf32>
    %add3A_229 = arith.addf %add3A_15, %add3A_228 : vector<64x1024xf32>
    %swap3A_230 = arith.constant 0 : index
    %swap3A_231 = arith.constant 1024 : index
    %swap3A_232 = arith.constant 0 : index
    %swap3A_233 = vector.load %arg5[%swap3A_230, %swap3A_231, %swap3A_232] : memref<1x1792x1024xf32, #tpu.memory_space<vmem>>, vector<1x64x1024xf32>
    %swap3A_234 = vector.shape_cast %swap3A_233 : vector<1x64x1024xf32> to vector<64x1024xf32>
    %swap3A_235 = vector.shape_cast %add3A_229 : vector<64x1024xf32> to vector<1x64x1024xf32>
    tpu.vector_store %arg5[%swap3A_230, %swap3A_231, %swap3A_232], %swap3A_235 {strides = array<i32>} : memref<1x1792x1024xf32, #tpu.memory_space<vmem>>, vector<1x64x1024xf32>,
    %get3A_236 = arith.constant 17 : index
    %get3A_237 = arith.constant 0 : index
    %get3A_238 = vector.load %arg3[%get3A_236, %get3A_237] : memref<28x1024xf32, #tpu.memory_space<vmem>>, vector<1x1024xf32>
    %get3A_239 = vector.shape_cast %get3A_238 : vector<1x1024xf32> to vector<1024xf32>
    %broadcast_in_dim3A_240 = vector.shape_cast %get3A_239 : vector<1024xf32> to vector<1x1024xf32>
    %add3A_241 = vector.broadcast %broadcast_in_dim3A_240 : vector<1x1024xf32> to vector<64x1024xf32>
    %add3A_242 = arith.addf %add3A_15, %add3A_241 : vector<64x1024xf32>
    %swap3A_243 = arith.constant 0 : index
    %swap3A_244 = arith.constant 1088 : index
    %swap3A_245 = arith.constant 0 : index
    %swap3A_246 = vector.load %arg5[%swap3A_243, %swap3A_244, %swap3A_245] : memref<1x1792x1024xf32, #tpu.memory_space<vmem>>, vector<1x64x1024xf32>
    %swap3A_247 = vector.shape_cast %swap3A_246 : vector<1x64x1024xf32> to vector<64x1024xf32>
    %swap3A_248 = vector.shape_cast %add3A_242 : vector<64x1024xf32> to vector<1x64x1024xf32>
    tpu.vector_store %arg5[%swap3A_243, %swap3A_244, %swap3A_245], %swap3A_248 {strides = array<i32>} : memref<1x1792x1024xf32, #tpu.memory_space<vmem>>, vector<1x64x1024xf32>,
    %get3A_249 = arith.constant 18 : index
    %get3A_250 = arith.constant 0 : index
    %get3A_251 = vector.load %arg3[%get3A_249, %get3A_250] : memref<28x1024xf32, #tpu.memory_space<vmem>>, vector<1x1024xf32>
    %get3A_252 = vector.shape_cast %get3A_251 : vector<1x1024xf32> to vector<1024xf32>
    %broadcast_in_dim3A_253 = vector.shape_cast %get3A_252 : vector<1024xf32> to vector<1x1024xf32>
    %add3A_254 = vector.broadcast %broadcast_in_dim3A_253 : vector<1x1024xf32> to vector<64x1024xf32>
    %add3A_255 = arith.addf %add3A_15, %add3A_254 : vector<64x1024xf32>
    %swap3A_256 = arith.constant 0 : index
    %swap3A_257 = arith.constant 1152 : index
    %swap3A_258 = arith.constant 0 : index
    %swap3A_259 = vector.load %arg5[%swap3A_256, %swap3A_257, %swap3A_258] : memref<1x1792x1024xf32, #tpu.memory_space<vmem>>, vector<1x64x1024xf32>
    %swap3A_260 = vector.shape_cast %swap3A_259 : vector<1x64x1024xf32> to vector<64x1024xf32>
    %swap3A_261 = vector.shape_cast %add3A_255 : vector<64x1024xf32> to vector<1x64x1024xf32>
    tpu.vector_store %arg5[%swap3A_256, %swap3A_257, %swap3A_258], %swap3A_261 {strides = array<i32>} : memref<1x1792x1024xf32, #tpu.memory_space<vmem>>, vector<1x64x1024xf32>,
    %get3A_262 = arith.constant 19 : index
    %get3A_263 = arith.constant 0 : index
    %get3A_264 = vector.load %arg3[%get3A_262, %get3A_263] : memref<28x1024xf32, #tpu.memory_space<vmem>>, vector<1x1024xf32>
    %get3A_265 = vector.shape_cast %get3A_264 : vector<1x1024xf32> to vector<1024xf32>
    %broadcast_in_dim3A_266 = vector.shape_cast %get3A_265 : vector<1024xf32> to vector<1x1024xf32>
    %add3A_267 = vector.broadcast %broadcast_in_dim3A_266 : vector<1x1024xf32> to vector<64x1024xf32>
    %add3A_268 = arith.addf %add3A_15, %add3A_267 : vector<64x1024xf32>
    %swap3A_269 = arith.constant 0 : index
    %swap3A_270 = arith.constant 1216 : index
    %swap3A_271 = arith.constant 0 : index
    %swap3A_272 = vector.load %arg5[%swap3A_269, %swap3A_270, %swap3A_271] : memref<1x1792x1024xf32, #tpu.memory_space<vmem>>, vector<1x64x1024xf32>
    %swap3A_273 = vector.shape_cast %swap3A_272 : vector<1x64x1024xf32> to vector<64x1024xf32>
    %swap3A_274 = vector.shape_cast %add3A_268 : vector<64x1024xf32> to vector<1x64x1024xf32>
    tpu.vector_store %arg5[%swap3A_269, %swap3A_270, %swap3A_271], %swap3A_274 {strides = array<i32>} : memref<1x1792x1024xf32, #tpu.memory_space<vmem>>, vector<1x64x1024xf32>,
    %get3A_275 = arith.constant 20 : index
    %get3A_276 = arith.constant 0 : index
    %get3A_277 = vector.load %arg3[%get3A_275, %get3A_276] : memref<28x1024xf32, #tpu.memory_space<vmem>>, vector<1x1024xf32>
    %get3A_278 = vector.shape_cast %get3A_277 : vector<1x1024xf32> to vector<1024xf32>
    %broadcast_in_dim3A_279 = vector.shape_cast %get3A_278 : vector<1024xf32> to vector<1x1024xf32>
    %add3A_280 = vector.broadcast %broadcast_in_dim3A_279 : vector<1x1024xf32> to vector<64x1024xf32>
    %add3A_281 = arith.addf %add3A_15, %add3A_280 : vector<64x1024xf32>
    %swap3A_282 = arith.constant 0 : index
    %swap3A_283 = arith.constant 1280 : index
    %swap3A_284 = arith.constant 0 : index
    %swap3A_285 = vector.load %arg5[%swap3A_282, %swap3A_283, %swap3A_284] : memref<1x1792x1024xf32, #tpu.memory_space<vmem>>, vector<1x64x1024xf32>
    %swap3A_286 = vector.shape_cast %swap3A_285 : vector<1x64x1024xf32> to vector<64x1024xf32>
    %swap3A_287 = vector.shape_cast %add3A_281 : vector<64x1024xf32> to vector<1x64x1024xf32>
    tpu.vector_store %arg5[%swap3A_282, %swap3A_283, %swap3A_284], %swap3A_287 {strides = array<i32>} : memref<1x1792x1024xf32, #tpu.memory_space<vmem>>, vector<1x64x1024xf32>,
    %get3A_288 = arith.constant 21 : index
    %get3A_289 = arith.constant 0 : index
    %get3A_290 = vector.load %arg3[%get3A_288, %get3A_289] : memref<28x1024xf32, #tpu.memory_space<vmem>>, vector<1x1024xf32>
    %get3A_291 = vector.shape_cast %get3A_290 : vector<1x1024xf32> to vector<1024xf32>
    %broadcast_in_dim3A_292 = vector.shape_cast %get3A_291 : vector<1024xf32> to vector<1x1024xf32>
    %add3A_293 = vector.broadcast %broadcast_in_dim3A_292 : vector<1x1024xf32> to vector<64x1024xf32>
    %add3A_294 = arith.addf %add3A_15, %add3A_293 : vector<64x1024xf32>
    %swap3A_295 = arith.constant 0 : index
    %swap3A_296 = arith.constant 1344 : index
    %swap3A_297 = arith.constant 0 : index
    %swap3A_298 = vector.load %arg5[%swap3A_295, %swap3A_296, %swap3A_297] : memref<1x1792x1024xf32, #tpu.memory_space<vmem>>, vector<1x64x1024xf32>
    %swap3A_299 = vector.shape_cast %swap3A_298 : vector<1x64x1024xf32> to vector<64x1024xf32>
    %swap3A_300 = vector.shape_cast %add3A_294 : vector<64x1024xf32> to vector<1x64x1024xf32>
    tpu.vector_store %arg5[%swap3A_295, %swap3A_296, %swap3A_297], %swap3A_300 {strides = array<i32>} : memref<1x1792x1024xf32, #tpu.memory_space<vmem>>, vector<1x64x1024xf32>,
    %get3A_301 = arith.constant 22 : index
    %get3A_302 = arith.constant 0 : index
    %get3A_303 = vector.load %arg3[%get3A_301, %get3A_302] : memref<28x1024xf32, #tpu.memory_space<vmem>>, vector<1x1024xf32>
    %get3A_304 = vector.shape_cast %get3A_303 : vector<1x1024xf32> to vector<1024xf32>
    %broadcast_in_dim3A_305 = vector.shape_cast %get3A_304 : vector<1024xf32> to vector<1x1024xf32>
    %add3A_306 = vector.broadcast %broadcast_in_dim3A_305 : vector<1x1024xf32> to vector<64x1024xf32>
    %add3A_307 = arith.addf %add3A_15, %add3A_306 : vector<64x1024xf32>
    %swap3A_308 = arith.constant 0 : index
    %swap3A_309 = arith.constant 1408 : index
    %swap3A_310 = arith.constant 0 : index
    %swap3A_311 = vector.load %arg5[%swap3A_308, %swap3A_309, %swap3A_310] : memref<1x1792x1024xf32, #tpu.memory_space<vmem>>, vector<1x64x1024xf32>
    %swap3A_312 = vector.shape_cast %swap3A_311 : vector<1x64x1024xf32> to vector<64x1024xf32>
    %swap3A_313 = vector.shape_cast %add3A_307 : vector<64x1024xf32> to vector<1x64x1024xf32>
    tpu.vector_store %arg5[%swap3A_308, %swap3A_309, %swap3A_310], %swap3A_313 {strides = array<i32>} : memref<1x1792x1024xf32, #tpu.memory_space<vmem>>, vector<1x64x1024xf32>,
    %get3A_314 = arith.constant 23 : index
    %get3A_315 = arith.constant 0 : index
    %get3A_316 = vector.load %arg3[%get3A_314, %get3A_315] : memref<28x1024xf32, #tpu.memory_space<vmem>>, vector<1x1024xf32>
    %get3A_317 = vector.shape_cast %get3A_316 : vector<1x1024xf32> to vector<1024xf32>
    %broadcast_in_dim3A_318 = vector.shape_cast %get3A_317 : vector<1024xf32> to vector<1x1024xf32>
    %add3A_319 = vector.broadcast %broadcast_in_dim3A_318 : vector<1x1024xf32> to vector<64x1024xf32>
    %add3A_320 = arith.addf %add3A_15, %add3A_319 : vector<64x1024xf32>
    %swap3A_321 = arith.constant 0 : index
    %swap3A_322 = arith.constant 1472 : index
    %swap3A_323 = arith.constant 0 : index
    %swap3A_324 = vector.load %arg5[%swap3A_321, %swap3A_322, %swap3A_323] : memref<1x1792x1024xf32, #tpu.memory_space<vmem>>, vector<1x64x1024xf32>
    %swap3A_325 = vector.shape_cast %swap3A_324 : vector<1x64x1024xf32> to vector<64x1024xf32>
    %swap3A_326 = vector.shape_cast %add3A_320 : vector<64x1024xf32> to vector<1x64x1024xf32>
    tpu.vector_store %arg5[%swap3A_321, %swap3A_322, %swap3A_323], %swap3A_326 {strides = array<i32>} : memref<1x1792x1024xf32, #tpu.memory_space<vmem>>, vector<1x64x1024xf32>,
    %get3A_327 = arith.constant 24 : index
    %get3A_328 = arith.constant 0 : index
    %get3A_329 = vector.load %arg3[%get3A_327, %get3A_328] : memref<28x1024xf32, #tpu.memory_space<vmem>>, vector<1x1024xf32>
    %get3A_330 = vector.shape_cast %get3A_329 : vector<1x1024xf32> to vector<1024xf32>
    %broadcast_in_dim3A_331 = vector.shape_cast %get3A_330 : vector<1024xf32> to vector<1x1024xf32>
    %add3A_332 = vector.broadcast %broadcast_in_dim3A_331 : vector<1x1024xf32> to vector<64x1024xf32>
    %add3A_333 = arith.addf %add3A_15, %add3A_332 : vector<64x1024xf32>
    %swap3A_334 = arith.constant 0 : index
    %swap3A_335 = arith.constant 1536 : index
    %swap3A_336 = arith.constant 0 : index
    %swap3A_337 = vector.load %arg5[%swap3A_334, %swap3A_335, %swap3A_336] : memref<1x1792x1024xf32, #tpu.memory_space<vmem>>, vector<1x64x1024xf32>
    %swap3A_338 = vector.shape_cast %swap3A_337 : vector<1x64x1024xf32> to vector<64x1024xf32>
    %swap3A_339 = vector.shape_cast %add3A_333 : vector<64x1024xf32> to vector<1x64x1024xf32>
    tpu.vector_store %arg5[%swap3A_334, %swap3A_335, %swap3A_336], %swap3A_339 {strides = array<i32>} : memref<1x1792x1024xf32, #tpu.memory_space<vmem>>, vector<1x64x1024xf32>,
    %get3A_340 = arith.constant 25 : index
    %get3A_341 = arith.constant 0 : index
    %get3A_342 = vector.load %arg3[%get3A_340, %get3A_341] : memref<28x1024xf32, #tpu.memory_space<vmem>>, vector<1x1024xf32>
    %get3A_343 = vector.shape_cast %get3A_342 : vector<1x1024xf32> to vector<1024xf32>
    %broadcast_in_dim3A_344 = vector.shape_cast %get3A_343 : vector<1024xf32> to vector<1x1024xf32>
    %add3A_345 = vector.broadcast %broadcast_in_dim3A_344 : vector<1x1024xf32> to vector<64x1024xf32>
    %add3A_346 = arith.addf %add3A_15, %add3A_345 : vector<64x1024xf32>
    %swap3A_347 = arith.constant 0 : index
    %swap3A_348 = arith.constant 1600 : index
    %swap3A_349 = arith.constant 0 : index
    %swap3A_350 = vector.load %arg5[%swap3A_347, %swap3A_348, %swap3A_349] : memref<1x1792x1024xf32, #tpu.memory_space<vmem>>, vector<1x64x1024xf32>
    %swap3A_351 = vector.shape_cast %swap3A_350 : vector<1x64x1024xf32> to vector<64x1024xf32>
    %swap3A_352 = vector.shape_cast %add3A_346 : vector<64x1024xf32> to vector<1x64x1024xf32>
    tpu.vector_store %arg5[%swap3A_347, %swap3A_348, %swap3A_349], %swap3A_352 {strides = array<i32>} : memref<1x1792x1024xf32, #tpu.memory_space<vmem>>, vector<1x64x1024xf32>,
    %get3A_353 = arith.constant 26 : index
    %get3A_354 = arith.constant 0 : index
    %get3A_355 = vector.load %arg3[%get3A_353, %get3A_354] : memref<28x1024xf32, #tpu.memory_space<vmem>>, vector<1x1024xf32>
    %get3A_356 = vector.shape_cast %get3A_355 : vector<1x1024xf32> to vector<1024xf32>
    %broadcast_in_dim3A_357 = vector.shape_cast %get3A_356 : vector<1024xf32> to vector<1x1024xf32>
    %add3A_358 = vector.broadcast %broadcast_in_dim3A_357 : vector<1x1024xf32> to vector<64x1024xf32>
    %add3A_359 = arith.addf %add3A_15, %add3A_358 : vector<64x1024xf32>
    %swap3A_360 = arith.constant 0 : index
    %swap3A_361 = arith.constant 1664 : index
    %swap3A_362 = arith.constant 0 : index
    %swap3A_363 = vector.load %arg5[%swap3A_360, %swap3A_361, %swap3A_362] : memref<1x1792x1024xf32, #tpu.memory_space<vmem>>, vector<1x64x1024xf32>
    %swap3A_364 = vector.shape_cast %swap3A_363 : vector<1x64x1024xf32> to vector<64x1024xf32>
    %swap3A_365 = vector.shape_cast %add3A_359 : vector<64x1024xf32> to vector<1x64x1024xf32>
    tpu.vector_store %arg5[%swap3A_360, %swap3A_361, %swap3A_362], %swap3A_365 {strides = array<i32>} : memref<1x1792x1024xf32, #tpu.memory_space<vmem>>, vector<1x64x1024xf32>,
    %get3A_366 = arith.constant 27 : index
    %get3A_367 = arith.constant 0 : index
    %get3A_368 = vector.load %arg3[%get3A_366, %get3A_367] : memref<28x1024xf32, #tpu.memory_space<vmem>>, vector<1x1024xf32>
    %get3A_369 = vector.shape_cast %get3A_368 : vector<1x1024xf32> to vector<1024xf32>
    %broadcast_in_dim3A_370 = vector.shape_cast %get3A_369 : vector<1024xf32> to vector<1x1024xf32>
    %add3A_371 = vector.broadcast %broadcast_in_dim3A_370 : vector<1x1024xf32> to vector<64x1024xf32>
    %add3A_372 = arith.addf %add3A_15, %add3A_371 : vector<64x1024xf32>
    %swap3A_373 = arith.constant 0 : index
    %swap3A_374 = arith.constant 1728 : index
    %swap3A_375 = arith.constant 0 : index
    %swap3A_376 = vector.load %arg5[%swap3A_373, %swap3A_374, %swap3A_375] : memref<1x1792x1024xf32, #tpu.memory_space<vmem>>, vector<1x64x1024xf32>
    %swap3A_377 = vector.shape_cast %swap3A_376 : vector<1x64x1024xf32> to vector<64x1024xf32>
    %swap3A_378 = vector.shape_cast %add3A_372 : vector<64x1024xf32> to vector<1x64x1024xf32>
    tpu.vector_store %arg5[%swap3A_373, %swap3A_374, %swap3A_375], %swap3A_378 {strides = array<i32>} : memref<1x1792x1024xf32, #tpu.memory_space<vmem>>, vector<1x64x1024xf32>,
    return
  }
  func.func @transform_0(%arg0: i32) -> i32 {
    %c0_i32 = arith.constant 0 : i32
    %c0_i32_0 = arith.constant 0 : i32
    return %c0_i32 : i32
  }
  func.func @transform_1(%arg0: i32) -> (i32, i32, i32) {
    %c0_i32 = arith.constant 0 : i32
    %c0_i32_0 = arith.constant 0 : i32
    %c0_i32_1 = arith.constant 0 : i32
    %c0_i32_2 = arith.constant 0 : i32
    return %c0_i32, %c0_i32_0, %c0_i32_1 : i32, i32, i32
  }
  func.func @transform_2(%arg0: i32) -> (i32, i32) {
    %c0_i32 = arith.constant 0 : i32
    %c0_i32_0 = arith.constant 0 : i32
    %c0_i32_1 = arith.constant 0 : i32
    return %c0_i32, %c0_i32_0 : i32, i32
  }
  func.func @transform_3(%arg0: i32) -> (i32, i32) {
    %c0_i32 = arith.constant 0 : i32
    %c0_i32_0 = arith.constant 0 : i32
    %c0_i32_1 = arith.constant 0 : i32
    return %c0_i32, %c0_i32_0 : i32, i32
  }
  func.func @transform_4(%arg0: i32) -> (i32, i32, i32) {
    %c0_i32 = arith.constant 0 : i32
    %c0_i32_0 = arith.constant 0 : i32
    %c0_i32_1 = arith.constant 0 : i32
    return %arg0, %c0_i32, %c0_i32_0 : i32, i32, i32
  }
}

</mosaic_0001>

<sc_bundles>
// kernel: kernel.4.cloned.1.call-start
scs
__scs_entry_jumppad:
0x0: {  	(pc) =	sbr.rel $0x88, $3  }
0x1: {  	(tag) =	ssettag $0x0;
	lr =	simm.s32 $0x1  }
0x2: {  	[smem:$0x3F9B] =	sst lr;
	_ =	strace $0xD0000000  }
0x3: {  	_ = 	snop  }
0x4: {  	_ = 	snop  }
0x5: {  	_ = 	snop  }
0x6: {  	_ = 	snop  }
0x7: {  	_ = 	snop  }
__scs_overlays_trampoline_lowered:
0x8: {  	[smem:$0x3FAA] =	sst s0  }
0x9: {  	[smem:$0x3FAB] =	sst s1  }
0xa: {  	[smem:$0x3FAC] =	sst s2  }
0xb: {  	[smem:$0x3FAD] =	sst s3  }
0xc: {  	[smem:$0x3FAE] =	sst s4  }
0xd: {  	[smem:$0x3FAF] =	sst s5  }
0xe: {  	[smem:$0x3FB0] =	sst s6  }
0xf: {  	[smem:$0x3FB1] =	sst s7  }
0x10: {  	[smem:$0x3FB2] =	sst s8  }
0x11: {  	[smem:$0x3FB3] =	sst s9;
	s0 =	simm.s32 @!p0 $0x0  }
0x12: {  	s1 =	sld [smem:$0x3F99];
	s0 =	simm.s32 @p0 $0x1  }
0x13: {  	[smem:$0x3FB4] =	sst s0;
	s0 =	simm.s32 @!p1 $0x0  }
0x14: {  	s2 =	sld [smem:$0x3F98];
	s0 =	simm.s32 @p1 $0x1  }
0x15: {  	[smem:$0x3FB5] =	sst s0;
	s0 =	simm.s32 @!p2 $0x0  }
0x16: {  	s3 =	sld [smem:$0x3FDB];
	s0 =	simm.s32 @p2 $0x1  }
0x17: {  	s4 =	simm.s32 $0x1BF5;
	[smem:$0x3FB7] =	sst s0  }
0x18: {  	s0 =	sld [smem:$0x3F9A];
	_ =	swait.ge [sflag:s4], $0x0  }
0x19: {  	s7 =	sld [smem:$0x3F9B]  }
0x1a: {  	s8 =	sadd.s32 $0xFFFFE003, lr  }
0x1b: {  	s9 =	sadd.s32 $0xFFFFFEF7, lr;
	s5 =	simm.s32 $0xFFFFFFFF;
	p2 =	slt.u32 s8, $0xFFFFF086  }
0x1c: {  	p1 =	slt.u32 s9, $0xF7A;
	s5 =	simm.s32 @!p2 $0x0  }
0x1d: {  	s5 =	simm.s32 @p1 $0x1;
	p0 =	seq.s32 s7, s2  }
0x1e: {  	s7 =	smul.u32 @!p0 $0xF7A, s2;
	p2 =	seq.s32 @!p0 s5, $0x0  }
0x1f: {  	s9 =	smul.u32 $0xF7A, s1;
	s8 =	simm.s32 @!p0 $0x1BF5;
	p2 =	por !p2, p0  }
0x20: {  	[sflag:s8] =	ssyncset.s32 @!p0 $0xFFFFF086;
	s6 =	sadd.s32 @!p0 s3, s7;
	s7 =	simm.s32 @!p0 $0x108  }
0x21: {  	s3 =	sadd.s32 s3, s9;
	s6 =	sadd.s32 @!p0 $0x88, s6;
	s7 =	simm.s32 @p2 $0x1082  }
0x22: {  	[simem:s7], [sflag:s8] =	dma.local @!p0 [hbm:s6], $0xF7A  }
0x23: {  	s9 =	sor.u32 $0xD0000000, s2;
	s6 =	simm.s32 $0x108;
	_ =	swait.ge @!p0 [sflag:s8], $0x0  }
0x24: {  	s3 =	sadd.s32 $0x88, s3;
	s6 =	simm.s32 @!p1 $0x1082;
	[sflag:s4] =	ssyncset.s32 $0xFFFFF086  }
0x25: {  	[simem:s6], [sflag:s4] =	dma.local [hbm:s3], $0xF7A  }
0x26: {  	[smem:$0x3F9B] =	sst s1;
	(tag) =	ssettag s2;
	_ =	strace s9  }
0x27: {  	s1 =	sld [smem:$0x3FAB]  }
0x28: {  	s2 =	sld [smem:$0x3FAC]  }
0x29: {  	s4 =	sld [smem:$0x3FAE]  }
0x2a: {  	p0 =	seq.s32 s5, $0x0;
	s5 =	sld [smem:$0x3FAF]  }
0x2b: {  	s6 =	sld [smem:$0x3FB0]  }
0x2c: {  	s7 =	sld [smem:$0x3FB1]  }
0x2d: {  	s3 =	simm.s32 $0x108;
	s8 =	sld [smem:$0x3FB2]  }
0x2e: {  	s3 =	simm.s32 @!p0 $0x1082;
	s9 =	sld [smem:$0x3FB3]  }
0x2f: {  	lr =	sadd.s32 s0, s3;
	s0 =	sld [smem:$0x3FAA]  }
0x30: {  	s3 =	sld [smem:$0x3FAD]  }
0x31: {  	[smem:$0x3FB6] =	sst s10  }
0x32: {  	s10 =	sld [smem:$0x3FB4];
	_ =	sdelay $0x3  }
0x33: {  	p0 =	seq.s32 s10, $0x1;
	s10 =	sld [smem:$0x3FB6];
	_ =	sdelay $0x3  }
0x34: {  	[smem:$0x3FB6] =	sst s10  }
0x35: {  	s10 =	sld [smem:$0x3FB5];
	_ =	sdelay $0x3  }
0x36: {  	p1 =	seq.s32 s10, $0x1;
	s10 =	sld [smem:$0x3FB6];
	_ =	sdelay $0x3  }
0x37: {  	[smem:$0x3FB6] =	sst s10  }
0x38: {  	s10 =	sld [smem:$0x3FB7]  }
0x39: {  	_ = 	snop;
	(pc) =	sbr.ind lr, $3  }
0x3a: {  	_ = 	snop  }
0x3b: {  	_ = 	snop  }
0x3c: {  	p2 =	seq.s32 s10, $0x1;
	s10 =	sld [smem:$0x3FB6]  }
0x3d: {  	_ =	shalt  }
0x3e: {  	_ =	shalt  }
0x3f: {  	_ =	shalt  }
0x40: {  	_ =	shalt  }
0x41: {  	_ =	shalt  }
0x42: {  	_ =	shalt  }
0x43: {  	_ =	shalt  }
0x44: {  	_ =	shalt  }
0x45: {  	_ =	shalt  }
0x46: {  	_ =	shalt  }
0x47: {  	_ =	shalt  }
0x48: {  	_ =	shalt  }
0x49: {  	_ =	shalt  }
0x4a: {  	_ =	shalt  }
0x4b: {  	_ =	shalt  }
0x4c: {  	_ =	shalt  }
0x4d: {  	_ =	shalt  }
0x4e: {  	_ =	shalt  }
0x4f: {  	_ =	shalt  }
0x50: {  	_ =	shalt  }
0x51: {  	_ =	shalt  }
0x52: {  	_ =	shalt  }
0x53: {  	_ =	shalt  }
0x54: {  	_ =	shalt  }
0x55: {  	_ =	shalt  }
0x56: {  	_ =	shalt  }
0x57: {  	_ =	shalt  }
0x58: {  	_ =	shalt  }
0x59: {  	_ =	shalt  }
0x5a: {  	_ =	shalt  }
0x5b: {  	_ =	shalt  }
0x5c: {  	_ =	shalt  }
0x5d: {  	_ =	shalt  }
0x5e: {  	_ =	shalt  }
0x5f: {  	_ =	shalt  }
0x60: {  	_ =	shalt  }
0x61: {  	_ =	shalt  }
0x62: {  	_ =	shalt  }
0x63: {  	_ =	shalt  }
0x64: {  	_ =	shalt  }
0x65: {  	_ =	shalt  }
0x66: {  	_ =	shalt  }
0x67: {  	_ =	shalt  }
0x68: {  	_ =	shalt  }
0x69: {  	_ =	shalt  }
0x6a: {  	_ =	shalt  }
0x6b: {  	_ =	shalt  }
0x6c: {  	_ =	shalt  }
0x6d: {  	_ =	shalt  }
0x6e: {  	_ =	shalt  }
0x6f: {  	_ =	shalt  }
0x70: {  	_ =	shalt  }
0x71: {  	_ =	shalt  }
0x72: {  	_ =	shalt  }
0x73: {  	_ =	shalt  }
0x74: {  	_ =	shalt  }
0x75: {  	_ =	shalt  }
0x76: {  	_ =	shalt  }
0x77: {  	_ =	shalt  }
0x78: {  	_ =	shalt  }
0x79: {  	_ =	shalt  }
0x7a: {  	_ =	shalt  }
0x7b: {  	_ =	shalt  }
0x7c: {  	_ =	shalt  }
0x7d: {  	_ =	shalt  }
0x7e: {  	_ =	shalt  }
0x7f: {  	_ =	shalt  }
0x80: {  	_ =	shalt  }
0x81: {  	_ =	shalt  }
0x82: {  	_ =	shalt  }
0x83: {  	_ =	shalt  }
0x84: {  	_ =	shalt  }
0x85: {  	_ =	shalt  }
0x86: {  	_ =	shalt  }
0x87: {  	_ =	shalt  }
.Lfunc_end0:
.L_simem_size_0:
called_computation_lowered:
.L_overlay_start_0:
0x88: {  	s0 =	sld [smem:$0x3FD9]  }
0x89: {  	s1 =	sld [smem:$0x3FFE];
	_ =	sdelay $0x3  }
0x8a: {  	s0 =	sadd.s32 s1, s0  }
0x8b: {  	[smem:$0x3FC2] =	sst s0  }
0x8c: {  	_ = 	snop  }
0x8d: {  	s0 =	sld [smem:$0x3FC7]  }
0x8e: {  	s17 =	sld [smem:$0x3FC6]  }
0x8f: {  	s2 =	sld [smem:$0x3FC4]  }
0x90: {  	s3 =	sld [smem:$0x3FD0];
	(tm) =	ssettm $0x1  }
0x91: {  	s4 =	sld [smem:$0x3FFB];
	_ =	sdelay $0x3  }
0x92: {  	_ =	strace s4  }
0x93: {  	s4 =	sld [smem:$0x3FFC];
	_ =	sdelay $0x3  }
0x94: {  	_ =	strace s4  }
0x95: {  	s4 =	sld [smem:$0x3FFD];
	_ =	sdelay $0x3  }
0x96: {  	_ =	strace s4  }
0x97: {  	_ =	strace $0x8FFFFFFF  }
0x98: {  	s18 =	sld [smem:$0x3FDB];
	_ =	sdelay $0x1  }
0x99: {  	s5 =	simm.s32 $_scs_section_size  }
0x9a: {  	s6 =	simm.s32 $_size__tile_overlayer_lowered;
	s7 =	simm.s32 $_tile_overlayer_lowered  }
0x9b: {  	s21 =	simm.s32 $0x1BFF;
	s20 =	sshll.u32 s7, $0x1;
	s4 =	sadd.s32 s5, s18  }
0x9c: {  	s8 =	simm.s32 $0x0;
	s19 =	sshll.u32 s6, $0x1;
	s6 =	sadd.s32 s20, s4  }
0x9d: {  	[timem:s8], [sflag:s21] =	dma.local [hbm:s6], s19  }
0x9e: {  	_ =	swait.ge [sflag:s21], s19  }
0x9f: {  	s5 =	ssub.s32 $0x0, s19;
	[sflag:s21] =	ssyncset.done $0x0  }
0xa0: {  	[sflag:s21] =	ssyncadd.s32 s5;
	_ =	sdelay $0x1  }
0xa1: {  	s22 =	simm.s32 $0x1B8B  }
0xa2: {  	_ =	swait.ge [sflag:s22], $0x1  }
0xa3: {  	[sflag:s22] =	ssyncset.done $0x0  }
0xa4: {  	s23 =	simm.s32 $0x1B8E;
	[sflag:s22] =	ssyncadd.s32 $0xFFFFFFFF  }
0xa5: {  	s24 =	simm.s32 $execute0_lowered;
	[smem:$0x3FD2] =	sst s23  }
0xa6: {  	s5 =	sshll.u32 s24, $0x1;
	_ =	strace $0x80000046;
	[dreg:$0x1] =	wrdreg $0xFFFFFFFF  }
0xa7: {  	s25 =	simm.s32 $_size_execute0_lowered;
	s4 =	sadd.s32 s4, s5;
	[dreg:$0x0] =	wrdreg $0x0  }
0xa8: {  	s5 =	sshll.u32 s25, $0x1;
	[dreg:$0x2] =	wrdreg s4  }
0xa9: {  	[dreg:$0x3] =	wrdreg s5  }
0xaa: {  	[dreg:$0x4] =	wrdreg $0xC0  }
0xab: {  	_ =	task [dreg:s8], $0x5FFFF  }
0xac: {  	[dreg:$0x1] =	wrdreg $0xFFFFFFFF  }
0xad: {  	[dreg:$0x0] =	wrdreg $0x60  }
0xae: {  	[dreg:$0x2] =	wrdreg s0  }
0xaf: {  	[dreg:$0x3] =	wrdreg s17  }
0xb0: {  	[dreg:$0x4] =	wrdreg s2  }
0xb1: {  	[dreg:$0x5] =	wrdreg s3  }
0xb2: {  	[dreg:$0x6] =	wrdreg $0x9  }
0xb3: {  	_ =	task.clear_ibuf [dreg:s8], $0x7FFFF;
	_ =	strace $0x90000046  }
0xb4: {  	s26 =	simm.s32 $0x9;
	_ =	strace $0x80000048  }
0xb5: {  	_ =	swait.ge [sflag:s26], $0x1  }
0xb6: {  	[sflag:s26] =	ssyncadd.s32 $0xFFFFFFFF  }
0xb7: {  	_ =	strace $0x90000048  }
0xb8: {  	_ =	sfence  }
0xb9: {  	s28 =	sld [smem:$0x0];
	_ =	sdelay $0x1  }
0xba: {  	s29 =	srdreg.scid  }
0xbb: {  	s30 =	sshll.u32 s29, $0xD;
	s31 =	sshrl.u32 s29, $0x2  }
0xbc: {  	s1 =	sand.u32 $0x1, s29;
	s2 =	sand.u32 $0x4000, s30;
	s0 =	sadd.s32 s31, s28  }
0xbd: {  	s1 =	sor.u32 s2, s1;
	s0 =	sshll.u32 s0, $0x11  }
0xbe: {  	s0 =	sor.u32 s0, s1  }
0xbf: {  	s0 =	sadd.s32 $0x8F2B, s0  }
0xc0: {  	[sflag:s0] =	ssyncadd.remote.s32 $0x1  }
0xc1: {  	_ =	sfence.sel $0xFFFF  }
0xc2: {  	[dreg:$0x0] =	wrdreg $0xFFFFFFFF;
	(pc) =	sbr.abs _section_cstart, $3  }
0xc3: {  	[dreg:$0x1] =	wrdreg $0xFFFFFFFF  }
0xc4: {  	_ =	task.clear_ibuf [dreg:s8], $0x2FFFF;
	_ =	strace $0x9FFFFFFF  }
0xc5: {  	(tm) =	ssettm $0x7FFFFFFF  }
tec
execute0_lowered:
.L_overlay_start_1:
0x0: {  	(tag) =	ssettag $0x1  }
0x1: {  	s7 =	rddreg [dreg:$0x0]  }
0x2: {  	s6 =	rddreg [dreg:$0x1]  }
0x3: {  	s5 =	rddreg [dreg:$0x2]  }
0x4: {  	s2 =	rddreg [dreg:$0x3];
	s1 =	stileid.u32  }
0x5: {  	s3 =	simm.s32 $0x0;
	s4 =	simm.s32 $0x10;
	p0 =	sgt.u32 s1, $0x8  }
0x6: {  	[smem:$0x7FF] =	sst s3;
	s4 =	simm.s32 @!p0 $0x0  }
0x7: {  	s0 =	rddreg [dreg:$0x4];
	_ =	strace $0x80000047;
	s4 =	sadd.s32 s7, s4  }
0x8: {  	[tilespmem:s3], [sflag:$0x1] =	stream.linear.gather [hbm4b:s4+s3], $0x80, $0x38;
	[tilespmem:$0x1C00] =	vst v63  }
0x9: {  	s9 =	simm.s32 $0x100;
	s8 =	sadd.s32 $0x80, s4  }
0xa: {  	[tilespmem:s9], [sflag:$0x1] =	stream.linear.gather [hbm4b:s8+s3], $0x80, $0x38;
	[tilespmem:$0x1C00] =	vst v63  }
0xb: {  	s21 =	simm.s32 $0x200;
	s20 =	sadd.s32 $0x100, s4  }
0xc: {  	[tilespmem:s21], [sflag:$0x1] =	stream.linear.gather [hbm4b:s20+s3], $0x80, $0x38;
	[tilespmem:$0x1C00] =	vst v63  }
0xd: {  	s23 =	simm.s32 $0x300;
	s22 =	sadd.s32 $0x180, s4  }
0xe: {  	[tilespmem:s23], [sflag:$0x1] =	stream.linear.gather [hbm4b:s22+s3], $0x80, $0x38;
	[tilespmem:$0x1C00] =	vst v63  }
0xf: {  	s25 =	simm.s32 $0x400;
	s24 =	sadd.s32 $0x200, s4  }
0x10: {  	[tilespmem:s25], [sflag:$0x1] =	stream.linear.gather [hbm4b:s24+s3], $0x80, $0x38;
	[tilespmem:$0x1C00] =	vst v63  }
0x11: {  	s28 =	simm.s32 $0x500;
	s26 =	sadd.s32 $0x280, s4  }
0x12: {  	[tilespmem:s28], [sflag:$0x1] =	stream.linear.gather [hbm4b:s26+s3], $0x80, $0x38;
	[tilespmem:$0x1C00] =	vst v63  }
0x13: {  	s30 =	simm.s32 $0x600;
	s29 =	sadd.s32 $0x300, s4  }
0x14: {  	[tilespmem:s30], [sflag:$0x1] =	stream.linear.gather [hbm4b:s29+s3], $0x80, $0x38;
	[tilespmem:$0x1C00] =	vst v63  }
0x15: {  	s31 =	simm.s32 $0x700;
	s4 =	sadd.s32 $0x380, s4;
	s8 =	sadd.s32 $0xFFFFFFF7, s1  }
0x16: {  	[tilespmem:s31], [sflag:$0x1] =	stream.linear.gather [hbm4b:s4+s3], $0x80, $0x38;
	[tilespmem:$0x1C00] =	vst v63  }
0x17: {  	s4 =	smin.u32 s1, s8  }
0x18: {  	s9 =	sshll.u32 s4, $0x4  }
0x19: {  	s4 =	sshll.u32 s4, $0x7;
	s8 =	sand.u32 $0x70, s9  }
0x1a: {  	s4 =	sand.u32 $0x400, s4;
	s8 =	sadd.s32 s6, s8  }
0x1b: {  	s10 =	simm.s32 $0x800;
	s4 =	sadd.s32 s4, s8  }
0x1c: {  	[tilespmem:s10], [sflag:$0x2] =	stream.linear.gather [hbm4b:s4+s3], $0x80, $0x38;
	[tilespmem:$0x1C00] =	vst v63  }
0x1d: {  	s12 =	simm.s32 $0x900;
	s11 =	sadd.s32 $0x80, s4  }
0x1e: {  	[tilespmem:s12], [sflag:$0x2] =	stream.linear.gather [hbm4b:s11+s3], $0x80, $0x38;
	[tilespmem:$0x1C00] =	vst v63  }
0x1f: {  	s14 =	simm.s32 $0xA00;
	s13 =	sadd.s32 $0x100, s4  }
0x20: {  	[tilespmem:s14], [sflag:$0x2] =	stream.linear.gather [hbm4b:s13+s3], $0x80, $0x38;
	[tilespmem:$0x1C00] =	vst v63  }
0x21: {  	s16 =	simm.s32 $0xB00;
	s15 =	sadd.s32 $0x180, s4  }
0x22: {  	[tilespmem:s16], [sflag:$0x2] =	stream.linear.gather [hbm4b:s15+s3], $0x80, $0x38;
	[tilespmem:$0x1C00] =	vst v63  }
0x23: {  	s18 =	simm.s32 $0xC00;
	s17 =	sadd.s32 $0x200, s4  }
0x24: {  	[tilespmem:s18], [sflag:$0x2] =	stream.linear.gather [hbm4b:s17+s3], $0x80, $0x38;
	[tilespmem:$0x1C00] =	vst v63  }
0x25: {  	s20 =	simm.s32 $0xD00;
	s19 =	sadd.s32 $0x280, s4  }
0x26: {  	[tilespmem:s20], [sflag:$0x2] =	stream.linear.gather [hbm4b:s19+s3], $0x80, $0x38;
	[tilespmem:$0x1C00] =	vst v63  }
0x27: {  	s22 =	simm.s32 $0xE00;
	s21 =	sadd.s32 $0x300, s4  }
0x28: {  	[tilespmem:s22], [sflag:$0x2] =	stream.linear.gather [hbm4b:s21+s3], $0x80, $0x38;
	[tilespmem:$0x1C00] =	vst v63  }
0x29: {  	s23 =	simm.s32 $0xF00;
	s4 =	sadd.s32 $0x380, s4  }
0x2a: {  	[tilespmem:s23], [sflag:$0x2] =	stream.linear.gather [hbm4b:s4+s3], $0x80, $0x38;
	[tilespmem:$0x1C00] =	vst v63  }
0x2b: {  	s24 =	simm.s32 $0x1000  }
0x2c: {  	[tilespmem:s24], [sflag:$0x3] =	stream.linear.gather [hbm4b:s5+s3], $0x80, $0x38;
	[tilespmem:$0x1C00] =	vst v63  }
0x2d: {  	s25 =	sadd.s32 $0x20, s5;
	s26 =	simm.s32 $0x1100  }
0x2e: {  	[tilespmem:s26], [sflag:$0x3] =	stream.linear.gather [hbm4b:s25+s3], $0x80, $0x38;
	[tilespmem:$0x1C00] =	vst v63  }
0x2f: {  	s28 =	sadd.s32 $0x40, s5;
	s29 =	simm.s32 $0x1200  }
0x30: {  	[tilespmem:s29], [sflag:$0x3] =	stream.linear.gather [hbm4b:s28+s3], $0x80, $0x38;
	[tilespmem:$0x1C00] =	vst v63  }
0x31: {  	s30 =	sadd.s32 $0x60, s5;
	s31 =	simm.s32 $0x1300  }
0x32: {  	[tilespmem:s31], [sflag:$0x3] =	stream.linear.gather [hbm4b:s30+s3], $0x80, $0x38;
	[tilespmem:$0x1C00] =	vst v63  }
0x33: {  	s9 =	simm.s32 $0x1400;
	s8 =	sadd.s32 $0x80, s5;
	s4 =	sor.u32 $0x10, s1  }
0x34: {  	[tilespmem:s9], [sflag:$0x3] =	stream.linear.gather [hbm4b:s8+s3], $0x80, $0x38;
	[tilespmem:$0x1C00] =	vst v63  }
0x35: {  	s10 =	sadd.s32 $0xA0, s5;
	s11 =	simm.s32 $0x1500;
	s14 =	smin.u32 s4, $0x1B  }
0x36: {  	[tilespmem:s11], [sflag:$0x3] =	stream.linear.gather [hbm4b:s10+s3], $0x80, $0x38;
	[tilespmem:$0x1C00] =	vst v63  }
0x37: {  	s12 =	sadd.s32 $0xC0, s5;
	s13 =	simm.s32 $0x1600;
	s11 =	smul.u32 $0x1D, s14  }
0x38: {  	[tilespmem:s13], [sflag:$0x3] =	stream.linear.gather [hbm4b:s12+s3], $0x80, $0x38;
	[tilespmem:$0x1C00] =	vst v63  }
0x39: {  	s15 =	sadd.s32 $0xE0, s5;
	s10 =	simm.s32 $0x1700;
	s16 =	sshrl.u32 s11, $0x8  }
0x3a: {  	[tilespmem:s10], [sflag:$0x3] =	stream.linear.gather [hbm4b:s15+s3], $0x80, $0x38;
	[tilespmem:$0x1C00] =	vst v63  }
0x3b: {  	p0 =	sgt.u32 s1, $0xA;
	s10 =	smov.u32 s16  }
0x3c: {  	s10 =	simm.s32 @p0 $0x13  }
0x3d: {  	s17 =	sshll.u32 s10, $0x4  }
0x3e: {  	s10 =	sshll.u32 s10, $0x7;
	s11 =	sand.u32 $0x30, s17  }
0x3f: {  	s10 =	sand.u32 $0x800, s10;
	s7 =	sadd.s32 s7, s11  }
0x40: {  	s18 =	simm.s32 $0x80;
	s7 =	sadd.s32 s10, s7  }
0x41: {  	[tilespmem:s18], [sflag:$0x4] =	stream.linear.gather [hbm4b:s7+s3], $0x80, $0x38;
	[tilespmem:$0x1C00] =	vst v63  }
0x42: {  	s20 =	simm.s32 $0x180;
	s19 =	sadd.s32 $0x80, s7  }
0x43: {  	[tilespmem:s20], [sflag:$0x4] =	stream.linear.gather [hbm4b:s19+s3], $0x80, $0x38;
	[tilespmem:$0x1C00] =	vst v63  }
0x44: {  	s22 =	simm.s32 $0x280;
	s21 =	sadd.s32 $0x100, s7  }
0x45: {  	[tilespmem:s22], [sflag:$0x4] =	stream.linear.gather [hbm4b:s21+s3], $0x80, $0x38;
	[tilespmem:$0x1C00] =	vst v63  }
0x46: {  	s24 =	simm.s32 $0x380;
	s23 =	sadd.s32 $0x180, s7  }
0x47: {  	[tilespmem:s24], [sflag:$0x4] =	stream.linear.gather [hbm4b:s23+s3], $0x80, $0x38;
	[tilespmem:$0x1C00] =	vst v63  }
0x48: {  	s26 =	simm.s32 $0x480;
	s25 =	sadd.s32 $0x200, s7  }
0x49: {  	[tilespmem:s26], [sflag:$0x4] =	stream.linear.gather [hbm4b:s25+s3], $0x80, $0x38;
	[tilespmem:$0x1C00] =	vst v63  }
0x4a: {  	s29 =	simm.s32 $0x580;
	s28 =	sadd.s32 $0x280, s7  }
0x4b: {  	[tilespmem:s29], [sflag:$0x4] =	stream.linear.gather [hbm4b:s28+s3], $0x80, $0x38;
	[tilespmem:$0x1C00] =	vst v63  }
0x4c: {  	s31 =	simm.s32 $0x680;
	s9 =	smul.u32 $0x9, s16;
	s30 =	sadd.s32 $0x300, s7  }
0x4d: {  	[tilespmem:s31], [sflag:$0x4] =	stream.linear.gather [hbm4b:s30+s3], $0x80, $0x38;
	[tilespmem:$0x1C00] =	vst v63  }
0x4e: {  	s12 =	ssub.s32 s14, s9;
	s11 =	simm.s32 $0x780;
	s7 =	sadd.s32 $0x380, s7  }
0x4f: {  	[tilespmem:s11], [sflag:$0x4] =	stream.linear.gather [hbm4b:s7+s3], $0x80, $0x38;
	[tilespmem:$0x1C00] =	vst v63  }
0x50: {  	s7 =	sand.u32 $0xFF, s12  }
0x51: {  	s7 =	simm.s32 @p0 $0x13  }
0x52: {  	s13 =	sshll.u32 s7, $0x4  }
0x53: {  	s7 =	sshll.u32 s7, $0x7;
	s8 =	sand.u32 $0x70, s13  }
0x54: {  	s7 =	sand.u32 $0xC00, s7;
	s6 =	sadd.s32 s6, s8  }
0x55: {  	s14 =	simm.s32 $0x880;
	s6 =	sadd.s32 s7, s6  }
0x56: {  	[tilespmem:s14], [sflag:$0x5] =	stream.linear.gather [hbm4b:s6+s3], $0x80, $0x38;
	[tilespmem:$0x1C00] =	vst v63  }
0x57: {  	s16 =	simm.s32 $0x980;
	s15 =	sadd.s32 $0x80, s6  }
0x58: {  	[tilespmem:s16], [sflag:$0x5] =	stream.linear.gather [hbm4b:s15+s3], $0x80, $0x38;
	[tilespmem:$0x1C00] =	vst v63  }
0x59: {  	s18 =	simm.s32 $0xA80;
	s17 =	sadd.s32 $0x100, s6  }
0x5a: {  	[tilespmem:s18], [sflag:$0x5] =	stream.linear.gather [hbm4b:s17+s3], $0x80, $0x38;
	[tilespmem:$0x1C00] =	vst v63  }
0x5b: {  	s20 =	simm.s32 $0xB80;
	s19 =	sadd.s32 $0x180, s6  }
0x5c: {  	[tilespmem:s20], [sflag:$0x5] =	stream.linear.gather [hbm4b:s19+s3], $0x80, $0x38;
	[tilespmem:$0x1C00] =	vst v63  }
0x5d: {  	s22 =	simm.s32 $0xC80;
	s21 =	sadd.s32 $0x200, s6  }
0x5e: {  	[tilespmem:s22], [sflag:$0x5] =	stream.linear.gather [hbm4b:s21+s3], $0x80, $0x38;
	[tilespmem:$0x1C00] =	vst v63  }
0x5f: {  	s24 =	simm.s32 $0xD80;
	s23 =	sadd.s32 $0x280, s6  }
0x60: {  	[tilespmem:s24], [sflag:$0x5] =	stream.linear.gather [hbm4b:s23+s3], $0x80, $0x38;
	[tilespmem:$0x1C00] =	vst v63  }
0x61: {  	s26 =	simm.s32 $0xE80;
	s7 =	simm.s32 $0x10;
	s25 =	sadd.s32 $0x300, s6  }
0x62: {  	[tilespmem:s26], [sflag:$0x5] =	stream.linear.gather [hbm4b:s25+s3], $0x80, $0x38;
	[tilespmem:$0x1C00] =	vst v63  }
0x63: {  	s28 =	simm.s32 $0xF80;
	s6 =	sadd.s32 $0x380, s6;
	s7 =	simm.s32 @!p0 $0x0  }
0x64: {  	[tilespmem:s28], [sflag:$0x5] =	stream.linear.gather [hbm4b:s6+s3], $0x80, $0x38;
	[tilespmem:$0x1C00] =	vst v63  }
0x65: {  	s29 =	simm.s32 $0x1080;
	s5 =	sadd.s32 s5, s7  }
0x66: {  	[tilespmem:s29], [sflag:$0x6] =	stream.linear.gather [hbm4b:s5+s3], $0x80, $0x38;
	[tilespmem:$0x1C00] =	vst v63  }
0x67: {  	s31 =	simm.s32 $0x1180;
	s30 =	sadd.s32 $0x20, s5  }
0x68: {  	[tilespmem:s31], [sflag:$0x6] =	stream.linear.gather [hbm4b:s30+s3], $0x80, $0x38;
	[tilespmem:$0x1C00] =	vst v63  }
0x69: {  	s9 =	simm.s32 $0x1280;
	s8 =	sadd.s32 $0x40, s5  }
0x6a: {  	[tilespmem:s9], [sflag:$0x6] =	stream.linear.gather [hbm4b:s8+s3], $0x80, $0x38;
	[tilespmem:$0x1C00] =	vst v63  }
0x6b: {  	s11 =	simm.s32 $0x1380;
	s10 =	sadd.s32 $0x60, s5  }
0x6c: {  	[tilespmem:s11], [sflag:$0x6] =	stream.linear.gather [hbm4b:s10+s3], $0x80, $0x38;
	[tilespmem:$0x1C00] =	vst v63  }
0x6d: {  	s13 =	simm.s32 $0x1480;
	s12 =	sadd.s32 $0x80, s5  }
0x6e: {  	[tilespmem:s13], [sflag:$0x6] =	stream.linear.gather [hbm4b:s12+s3], $0x80, $0x38;
	[tilespmem:$0x1C00] =	vst v63  }
0x6f: {  	s14 =	sadd.s32 $0xA0, s5;
	s15 =	simm.s32 $0x1580  }
0x70: {  	[tilespmem:s15], [sflag:$0x6] =	stream.linear.gather [hbm4b:s14+s3], $0x80, $0x38;
	[tilespmem:$0x1C00] =	vst v63  }
0x71: {  	s16 =	sadd.s32 $0xC0, s5;
	s17 =	simm.s32 $0x1680  }
0x72: {  	[tilespmem:s17], [sflag:$0x6] =	stream.linear.gather [hbm4b:s16+s3], $0x80, $0x38;
	[tilespmem:$0x1C00] =	vst v63  }
0x73: {  	s18 =	simm.s32 $0x1780;
	s19 =	simm.s32 $0x1;
	s5 =	sadd.s32 $0xE0, s5  }
0x74: {  	[tilespmem:s18], [sflag:$0x6] =	stream.linear.gather [hbm4b:s5+s3], $0x80, $0x38;
	[tilespmem:$0x1C00] =	vst v63  }
0x75: {  	_ =	swait.ge [sflag:s19], $0x400  }
0x76: {  	[sflag:s19] =	ssyncset.done $0x0  }
0x77: {  	s20 =	simm.s32 $0x2;
	[sflag:s19] =	ssyncadd.s32 $0xFFFFFC00  }
0x78: {  	_ =	swait.ge [sflag:s20], $0x400  }
0x79: {  	[sflag:s20] =	ssyncset.done $0x0  }
0x7a: {  	s21 =	simm.s32 $0x3;
	[sflag:s20] =	ssyncadd.s32 $0xFFFFFC00  }
0x7b: {  	_ =	swait.ge [sflag:s21], $0x400  }
0x7c: {  	s22 =	sand.u32 $0x40, s3;
	s23 =	sand.u32 $0x700, s3;
	[sflag:s21] =	ssyncset.done $0x0  }
0x7d: {  	s24 =	sor.u32 s22, s23;
	[sflag:s21] =	ssyncadd.s32 $0xFFFFFC00  }
0x7e: {  	v0 =	vld [tilespmem:s24+$0x0]  }
0x7f: {  	v1 =	vld [tilespmem:s24+$0x800];
	_ =	sdelay $0x1  }
0x80: {  	v2 =	vld [tilespmem:s24+$0x1000];
	_ =	sdelay $0x2  }
0x81: {  	v0 =	vadd.f32 v1, v0;
	_ =	sdelay $0x1  }
0x82: {  	v0 =	vadd.f32 v2, v0  }
0x83: {  	s25 =	sor.u32 $0x10, s22;
	s5 =	simm.s32 $0x1800  }
0x84: {  	s26 =	sor.u32 s23, s25;
	[tilespmem:s5+$0x0] =	vst v0  }
0x85: {  	v0 =	vld [tilespmem:s26+$0x0]  }
0x86: {  	v1 =	vld [tilespmem:s26+$0x800];
	_ =	sdelay $0x1  }
0x87: {  	v2 =	vld [tilespmem:s26+$0x1000];
	_ =	sdelay $0x2  }
0x88: {  	v0 =	vadd.f32 v1, v0  }
0x89: {  	s28 =	sand.u32 $0x380, s3  }
0x8a: {  	s7 =	sor.u32 $0x1800, s28;
	v0 =	vadd.f32 v2, v0  }
0x8b: {  	s29 =	sor.u32 $0x20, s22;
	s9 =	sor.u32 s25, s7  }
0x8c: {  	s30 =	sor.u32 s23, s29;
	[tilespmem:s9+$0x0] =	vst v0  }
0x8d: {  	v0 =	vld [tilespmem:s30+$0x0]  }
0x8e: {  	v1 =	vld [tilespmem:s30+$0x800];
	_ =	sdelay $0x1  }
0x8f: {  	v2 =	vld [tilespmem:s30+$0x1000];
	_ =	sdelay $0x2  }
0x90: {  	v0 =	vadd.f32 v1, v0;
	_ =	sdelay $0x1  }
0x91: {  	v0 =	vadd.f32 v2, v0  }
0x92: {  	s31 =	sor.u32 s29, s7;
	s10 =	sor.u32 $0x30, s22  }
0x93: {  	s8 =	sor.u32 s23, s10;
	[tilespmem:s31+$0x0] =	vst v0  }
0x94: {  	v1 =	vld [tilespmem:s8+$0x0]  }
0x95: {  	v2 =	vld [tilespmem:s8+$0x800]  }
0x96: {  	s6 =	simm.s32 $0x40;
	v0 =	vld [tilespmem:s8+$0x1000]  }
.LBB2_1:
0x97: {  	_ =	sdelay $0x1  }
0x98: {  	p0 =	sne.s32 s6, $0x3C0;
	s3 =	sadd.s32 $0x80, s3;
	s5 =	sadd.s32 $0x40, s5  }
0x99: {  	s11 =	smov.u32 s6;
	s6 =	sadd.s32 $0x40, s6;
	v1 =	vadd.f32 v2, v1;
	_ =	sdelay $0x1  }
0x9a: {  	s7 =	sor.u32 s10, s7;
	s9 =	sand.u32 $0x40, s11;
	s8 =	sand.u32 $0x700, s3;
	v0 =	vadd.f32 v0, v1  }
0x9b: {  	s10 =	sor.u32 s9, s8;
	s12 =	sor.u32 $0x10, s9;
	s13 =	sor.u32 $0x20, s9  }
0x9c: {  	[tilespmem:s7+$0x0] =	vst v0  }
0x9d: {  	v0 =	vld [tilespmem:s10+$0x0]  }
0x9e: {  	v1 =	vld [tilespmem:s10+$0x800];
	_ =	sdelay $0x1  }
0x9f: {  	v2 =	vld [tilespmem:s10+$0x1000];
	_ =	sdelay $0x2  }
0xa0: {  	v0 =	vadd.f32 v1, v0;
	_ =	sdelay $0x1  }
0xa1: {  	v0 =	vadd.f32 v2, v0;
	_ =	sdelay $0x1  }
0xa2: {  	s7 =	sor.u32 s8, s12;
	[tilespmem:s5+$0x0] =	vst v0  }
0xa3: {  	v0 =	vld [tilespmem:s7+$0x0]  }
0xa4: {  	v1 =	vld [tilespmem:s7+$0x800];
	_ =	sdelay $0x1  }
0xa5: {  	v2 =	vld [tilespmem:s7+$0x1000];
	_ =	sdelay $0x2  }
0xa6: {  	v0 =	vadd.f32 v1, v0  }
0xa7: {  	s7 =	sand.u32 $0x380, s11  }
0xa8: {  	s7 =	sor.u32 $0x1800, s7;
	v0 =	vadd.f32 v2, v0  }
0xa9: {  	s10 =	sor.u32 s12, s7;
	s11 =	sor.u32 s13, s7  }
0xaa: {  	[tilespmem:s10+$0x0] =	vst v0;
	s10 =	sor.u32 s8, s13  }
0xab: {  	v0 =	vld [tilespmem:s10+$0x0]  }
0xac: {  	v1 =	vld [tilespmem:s10+$0x800];
	_ =	sdelay $0x1  }
0xad: {  	v2 =	vld [tilespmem:s10+$0x1000];
	_ =	sdelay $0x2  }
0xae: {  	v0 =	vadd.f32 v1, v0;
	_ =	sdelay $0x1  }
0xaf: {  	v0 =	vadd.f32 v2, v0  }
.Ltmp0:
0xb0: {  	s10 =	sor.u32 $0x30, s9;
	(pc) =	sbr.rel @p0 .LBB2_1-.Ltmp0, $4  }
0xb1: {  	s8 =	sor.u32 s8, s10;
	[tilespmem:s11+$0x0] =	vst v0  }
0xb2: {  	v1 =	vld [tilespmem:s8+$0x0]  }
0xb3: {  	v2 =	vld [tilespmem:s8+$0x800]  }
0xb4: {  	v0 =	vld [tilespmem:s8+$0x1000]  }
0xb5: {  	_ =	sdelay $0x2  }
0xb6: {  	s3 =	sshll.u32 s1, $0xA;
	s5 =	sshll.u32 s1, $0x7;
	v1 =	vadd.f32 v2, v1  }
0xb7: {  	s3 =	sand.u32 $0x2000, s3;
	s8 =	sand.u32 $0x380, s5  }
0xb8: {  	s24 =	sor.u32 s10, s7;
	s3 =	sor.u32 s8, s3;
	v0 =	vadd.f32 v0, v1  }
0xb9: {  	s25 =	simm.s32 $0x80;
	s26 =	simm.s32 $0x400;
	s3 =	sshrl.u32 s3, $0x3  }
0xba: {  	s28 =	simm.s32 $0x7;
	s6 =	sadd.s32 s2, s3;
	s3 =	simm.s32 $0x1800;
	[tilespmem:s24+$0x0] =	vst v0  }
0xbb: {  	[hbm4b:s6+s25] =	stream.strided.scatter [tilespmem:s3], [sflag:$0x7], $0x400, s26, s25, $0x38;
	[tilespmem:$0x1C00] =	vst v63  }
0xbc: {  	_ =	swait.ge [sflag:s28], $0x400  }
0xbd: {  	[sflag:s28] =	ssyncset.done $0x0  }
0xbe: {  	s29 =	simm.s32 $0x4;
	[sflag:s28] =	ssyncadd.s32 $0xFFFFFC00  }
0xbf: {  	_ =	swait.ge [sflag:s29], $0x400  }
0xc0: {  	[sflag:s29] =	ssyncset.done $0x0  }
0xc1: {  	s30 =	simm.s32 $0x5;
	[sflag:s29] =	ssyncadd.s32 $0xFFFFFC00  }
0xc2: {  	p0 =	sgt.u32 s1, $0xB;
	_ =	swait.ge [sflag:s30], $0x400  }
.Ltmp1:
0xc3: {  	[sflag:s30] =	ssyncset.done $0x0;
	(pc) =	sbr.rel @p0 .LBB2_6-.Ltmp1, $4  }
0xc4: {  	s31 =	simm.s32 $0x6;
	[sflag:s30] =	ssyncadd.s32 $0xFFFFFC00  }
0xc5: {  	_ =	swait.ge [sflag:s31], $0x400  }
0xc6: {  	[sflag:s31] =	ssyncset.done $0x0  }
0xc7: {  	[sflag:s31] =	ssyncadd.s32 $0xFFFFFC00  }
0xc8: {  	p0 =	por $0x0, $0x0;
	s5 =	simm.s32 $0x1  }
0xc9: {  	s5 =	simm.s32 @!p0 $0x0  }
0xca: {  	s5 =	sshll.u32 s5, $0x6  }
0xcb: {  	s7 =	sadd.s32 $0x0, s5  }
0xcc: {  	s5 =	sor.u32 $0x80, s7  }
0xcd: {  	v0 =	vld [tilespmem:s5+$0x0]  }
0xce: {  	v1 =	vld [tilespmem:s5+$0x800];
	_ =	sdelay $0x1  }
0xcf: {  	v2 =	vld [tilespmem:s5+$0x1000];
	_ =	sdelay $0x2  }
0xd0: {  	v0 =	vadd.f32 v1, v0;
	_ =	sdelay $0x1  }
0xd1: {  	v0 =	vadd.f32 v2, v0  }
0xd2: {  	s31 =	sadd.s32 $0x10, s7  }
0xd3: {  	s5 =	sor.u32 $0x80, s31;
	[tilespmem:s3+$0x0] =	vst v0  }
0xd4: {  	v0 =	vld [tilespmem:s5+$0x0]  }
0xd5: {  	v1 =	vld [tilespmem:s5+$0x800];
	_ =	sdelay $0x1  }
0xd6: {  	v2 =	vld [tilespmem:s5+$0x1000];
	_ =	sdelay $0x2  }
0xd7: {  	v0 =	vadd.f32 v1, v0;
	_ =	sdelay $0x1  }
0xd8: {  	s5 =	simm.s32 $0x0;
	v0 =	vadd.f32 v2, v0  }
0xd9: {  	s9 =	sadd.s32 $0x20, s7;
	s6 =	sand.u32 $0x3C0, s5  }
0xda: {  	s9 =	sor.u32 $0x80, s9;
	[tilespmem:s6+$0x1810] =	vst v0  }
0xdb: {  	v0 =	vld [tilespmem:s9+$0x0]  }
0xdc: {  	v1 =	vld [tilespmem:s9+$0x800];
	_ =	sdelay $0x1  }
0xdd: {  	v2 =	vld [tilespmem:s9+$0x1000];
	_ =	sdelay $0x2  }
0xde: {  	v0 =	vadd.f32 v1, v0;
	_ =	sdelay $0x1  }
0xdf: {  	v0 =	vadd.f32 v2, v0  }
0xe0: {  	s4 =	sshll.u32 s4, $0xA;
	s7 =	sadd.s32 $0x30, s7  }
0xe1: {  	s4 =	sand.u32 $0x6000, s4;
	s7 =	sor.u32 $0x80, s7;
	[tilespmem:s6+$0x1820] =	vst v0  }
0xe2: {  	s4 =	sor.u32 s8, s4;
	v0 =	vld [tilespmem:s7+$0x0]  }
0xe3: {  	s4 =	sshrl.u32 s4, $0x3;
	v2 =	vld [tilespmem:s7+$0x800]  }
0xe4: {  	s2 =	sadd.s32 s2, s4;
	s4 =	simm.s32 $0x80;
	v1 =	vld [tilespmem:s7+$0x1000]  }
.LBB2_4:
0xe5: {  	_ = 	snop  }
0xe6: {  	p0 =	por !p0, !p0;
	s5 =	sadd.s32 $0x40, s5  }
0xe7: {  	s3 =	sadd.s32 $0x40, s3;
	s7 =	smov.u32 s4;
	s8 =	simm.s32 $0x1  }
0xe8: {  	p1 =	sne.s32 s4, $0x780;
	s4 =	sadd.s32 $0x80, s4;
	s8 =	simm.s32 @!p0 $0x0;
	v0 =	vadd.f32 v2, v0  }
0xe9: {  	s8 =	sshll.u32 s8, $0x6  }
0xea: {  	s7 =	sadd.s32 s8, s7;
	v0 =	vadd.f32 v1, v0  }
0xeb: {  	s8 =	sor.u32 $0x80, s7;
	s9 =	sadd.s32 $0x10, s7;
	s10 =	sadd.s32 $0x20, s7  }
0xec: {  	s7 =	sadd.s32 $0x30, s7;
	[tilespmem:s6+$0x1830] =	vst v0  }
0xed: {  	v0 =	vld [tilespmem:s8+$0x0]  }
0xee: {  	v1 =	vld [tilespmem:s8+$0x800];
	_ =	sdelay $0x1  }
0xef: {  	v2 =	vld [tilespmem:s8+$0x1000];
	_ =	sdelay $0x2  }
0xf0: {  	v0 =	vadd.f32 v1, v0;
	_ =	sdelay $0x1  }
0xf1: {  	v0 =	vadd.f32 v2, v0;
	_ =	sdelay $0x1  }
0xf2: {  	s6 =	sor.u32 $0x80, s9;
	[tilespmem:s3+$0x0] =	vst v0  }
0xf3: {  	v0 =	vld [tilespmem:s6+$0x0]  }
0xf4: {  	v1 =	vld [tilespmem:s6+$0x800];
	_ =	sdelay $0x1  }
0xf5: {  	v2 =	vld [tilespmem:s6+$0x1000];
	_ =	sdelay $0x2  }
0xf6: {  	v0 =	vadd.f32 v1, v0;
	_ =	sdelay $0x1  }
0xf7: {  	v0 =	vadd.f32 v2, v0  }
0xf8: {  	s6 =	sand.u32 $0x3C0, s5  }
0xf9: {  	s8 =	sor.u32 $0x80, s10;
	[tilespmem:s6+$0x1810] =	vst v0  }
0xfa: {  	v0 =	vld [tilespmem:s8+$0x0]  }
0xfb: {  	v1 =	vld [tilespmem:s8+$0x800];
	_ =	sdelay $0x1  }
0xfc: {  	v2 =	vld [tilespmem:s8+$0x1000];
	_ =	sdelay $0x2  }
0xfd: {  	v0 =	vadd.f32 v1, v0;
	_ =	sdelay $0x1  }
0xfe: {  	v0 =	vadd.f32 v2, v0  }
.Ltmp2:
0xff: {  	(pc) =	sbr.rel @p1 .LBB2_4-.Ltmp2, $4  }
0x100: {  	s7 =	sor.u32 $0x80, s7;
	[tilespmem:s6+$0x1820] =	vst v0  }
0x101: {  	v0 =	vld [tilespmem:s7+$0x0]  }
0x102: {  	v2 =	vld [tilespmem:s7+$0x800]  }
0x103: {  	v1 =	vld [tilespmem:s7+$0x1000]  }
0x104: {  	_ =	sdelay $0x2  }
0x105: {  	v0 =	vadd.f32 v2, v0;
	_ =	sdelay $0x1  }
0x106: {  	v0 =	vadd.f32 v1, v0  }
0x107: {  	s3 =	simm.s32 $0x80  }
0x108: {  	s4 =	simm.s32 $0x400;
	s5 =	simm.s32 $0x1800;
	s31 =	simm.s32 $0x7;
	[tilespmem:s6+$0x1830] =	vst v0  }
0x109: {  	[hbm4b:s2+s3] =	stream.strided.scatter [tilespmem:s5], [sflag:$0x7], $0x400, s4, s3, $0x38;
	[tilespmem:$0x1C00] =	vst v63  }
0x10a: {  	_ =	swait.ge [sflag:s31], $0x400  }
0x10b: {  	[sflag:s31] =	ssyncset.done $0x0  }
0x10c: {  	[sflag:s31] =	ssyncadd.s32 $0xFFFFFC00  }
.LBB2_6:
0x10d: {  	_ =	sfence.sel $0x180000  }
0x10e: {  	[bflag:$0x0] =	sbarrier.arrive $0xFFFF  }
0x10f: {  	p0 =	sne.s32 s1, $0x0;
	_ =	strace $0x90000047  }
0x110: {  	s0 =	sadd.s32 @!p0 $0x100000, s0;
	[bflag:$0x2] =	sbarrier.arrive $0xFFFF  }
0x111: {  	[sflag:s0] =	ssyncadd.tile.s32 @!p0 $0x1;
	_ =	shalt  }
.Lfunc_end2:
_tile_overlayer_lowered:
.L_overlay_start_2:
0x112: {  	(tag) =	ssettag $0x2  }
0x113: {  	s0 =	rddreg [dreg:$0x0];
	s2 =	stileid.u32  }
0x114: {  	s1 =	rddreg [dreg:$0x1];
	p0 =	sne.s32 s2, $0x0  }
0x115: {  	s3 =	rddreg [dreg:$0x2];
	[bflag:$0x3] =	sbarrier.arrive $0xFFFF;
	s2 =	simm.s32 @!p0 $0x1C07  }
0x116: {  	[timem:s3], [sflag:s2] =	dma.local @!p0 [hbm:s0], s1  }
0x117: {  	s0 =	simm.s32 @!p0 $0x7  }
0x118: {  	_ =	swait.ge @!p0 [sflag:s0], s1  }
0x119: {  	s1 =	ssub.s32 @!p0 $0x0, s1;
	[sflag:s0] =	ssyncset.done @!p0 $0x0  }
0x11a: {  	[sflag:s0] =	ssyncadd.s32 @!p0 s1  }
0x11b: {  	[bflag:$0x3] =	sbarrier.arrive $0xFFFF  }
0x11c: {  	_ =	shalt  }

</sc_bundles>
